<compile_context>
chip_gen: v7x
topology: tpu7x:2x2x1
jax: 0.10.2.dev20260603
libtpu: 0.0.44.dev20260713+nightly
codegen_flags: <defaults>
</compile_context>

<pallas_src>
import functools

import jax
import jax.numpy as jnp
from jax import lax
from jax.experimental import pallas as pl
from jax.experimental.pallas import tpu as pltpu
from jax.experimental.pallas import tpu_sc as plsc

_BATCH = 4096
_SEQ = 50
_D = 64
_V = 100000

_NC = 2
_NS = 16
_NW = _NC * _NS
_FPW = _D // _NW
_GROUPS = _BATCH // 16
_NIB = 4
_NSB = 2
_JBODY = _SEQ // _NIB


def _slab_kernel(idx_hbm, tab_hbm, out_hbm, rowbuf, ibufs, sbufs, isems, wsems):
    wid = lax.axis_index("s") * _NC + lax.axis_index("c")

    def gather_row(ibuf, sbuf):
        @plsc.parallel_loop(0, _GROUPS, 1, unroll=8)
        def _(g):
            iv = ibuf[pl.ds(g * 16, 16)]
            sbuf[pl.ds(g * 16, 16)] = plsc.load_gather(rowbuf, [iv])

    def fire_idx(j, p):
        pltpu.async_copy(idx_hbm.at[j], ibufs[p], isems[p])

    def wait_idx(j, p):
        pltpu.make_async_copy(idx_hbm.at[j], ibufs[p], isems[p]).wait()

    def wait_write(j, f, s):
        pltpu.make_async_copy(sbufs[s], out_hbm.at[j, f], wsems[s]).wait()

    for fi in range(_FPW):
        f = wid * _FPW + fi
        pltpu.sync_copy(tab_hbm.at[f], rowbuf)
        for p in range(_NIB):
            fire_idx(p, p)

        def jbody(i, carry):
            for p in range(_NIB):
                j = _NIB * i + p
                s = p % _NSB
                if p < _NSB:
                    @pl.when(i > 0)
                    def _():
                        wait_write(j, f, s)
                else:
                    wait_write(j, f, s)
                wait_idx(j, p)
                gather_row(ibufs[p], sbufs[s])
                pltpu.async_copy(sbufs[s], out_hbm.at[j, f], wsems[s])
                nxt = j + _NIB
                @pl.when(nxt < _SEQ)
                def _():
                    fire_idx(nxt, p)
            return carry

        lax.fori_loop(0, _JBODY, jbody, 0)

        for p in range(_SEQ - _NIB * _JBODY):
            j = _NIB * _JBODY + p
            s = p % _NSB
            wait_write(j, f, s)
            wait_idx(j, p)
            gather_row(ibufs[p], sbufs[s])
            pltpu.async_copy(sbufs[s], out_hbm.at[j, f], wsems[s])
        for s in range(_NSB):
            wait_write(0, f, s)


@jax.jit
def _embed_gather(idx_t, tab_t):
    mesh = plsc.VectorSubcoreMesh(core_axis_name="c", subcore_axis_name="s")
    k = functools.partial(
        pl.kernel,
        mesh=mesh,
        out_type=jax.ShapeDtypeStruct((_SEQ, _D, _BATCH), jnp.float32),
        scratch_types=[
            pltpu.VMEM((_V,), jnp.float32),
            [pltpu.VMEM((_BATCH,), jnp.int32) for _ in range(_NIB)],
            [pltpu.VMEM((_BATCH,), jnp.float32) for _ in range(_NSB)],
            [pltpu.SemaphoreType.DMA for _ in range(_NIB)],
            [pltpu.SemaphoreType.DMA for _ in range(_NSB)],
        ],
        compiler_params=pltpu.CompilerParams(needs_layout_passes=False),
    )(_slab_kernel)
    return k(idx_t, tab_t)


def kernel(inputs, embedding):
    idx_t = inputs.astype(jnp.int32).T
    tab_t = jnp.asarray(embedding, jnp.float32).T
    p = _embed_gather(idx_t, tab_t)
    return p.transpose(2, 0, 1)

# --- scband reference (transcript-rebuilt; emitter-appended) ---
"""Pipeline reference for scband-parallel-embed-8100308320522 (READ-ONLY COPY).

The authoritative reference and input builder live on the scoring server;
editing this copy changes nothing except your own understanding.
"""

import jax, jax.numpy as jnp
import numpy as np

NUM_EMBEDDINGS = 100000
FEATURES = 64

def setup_inputs(seed: int = 0) -> dict:
    key = jax.random.key(seed)
    k_idx, k_emb = jax.random.split(key)
    inputs = jax.random.randint(k_idx, (4096, 50), 0, NUM_EMBEDDINGS, dtype=jnp.int64 if jax.config.jax_enable_x64 else jnp.int32)
    embedding = jax.random.normal(k_emb, (NUM_EMBEDDINGS, FEATURES), dtype=jnp.float32) * 0.02
    return {"inputs": inputs, "embedding": embedding}

def reference(inputs, embedding):
    emb = jnp.asarray(embedding, jnp.float32)
    return emb[inputs.astype('i4')]

if __name__ == "__main__":
    import jax
    _d = setup_inputs()
    print(jax.jit(kernel)(*tuple(_d.values())))

</pallas_src>

<mosaic_0001>
#map = affine_map<(d0, d1) -> (0, 0)>
#map1 = affine_map<(d0, d1) -> (0, 0, 0)>
module attributes {stable_mosaic.version = 14 : i64} {
  func.func @_slab_kernel(%arg0: i32, %arg1: i32, %arg2: memref<50x4096xi32, #tpu.memory_space<hbm>>, %arg3: memref<64x100000xf32, #tpu.memory_space<hbm>>, %arg4: memref<50x64x4096xf32, #tpu.memory_space<hbm>>, %arg5: memref<100000xf32, #tpu.memory_space<vmem>>, %arg6: memref<4096xi32, #tpu.memory_space<vmem>>, %arg7: memref<4096xi32, #tpu.memory_space<vmem>>, %arg8: memref<4096xi32, #tpu.memory_space<vmem>>, %arg9: memref<4096xi32, #tpu.memory_space<vmem>>, %arg10: memref<4096xf32, #tpu.memory_space<vmem>>, %arg11: memref<4096xf32, #tpu.memory_space<vmem>>, %arg12: memref<!tpu.dma_semaphore, #tpu.memory_space<semaphore_mem>>, %arg13: memref<!tpu.dma_semaphore, #tpu.memory_space<semaphore_mem>>, %arg14: memref<!tpu.dma_semaphore, #tpu.memory_space<semaphore_mem>>, %arg15: memref<!tpu.dma_semaphore, #tpu.memory_space<semaphore_mem>>, %arg16: memref<!tpu.dma_semaphore, #tpu.memory_space<semaphore_mem>>, %arg17: memref<!tpu.dma_semaphore, #tpu.memory_space<semaphore_mem>>) attributes {dimension_semantics = [#tpu.dimension_semantics<core_parallel>, #tpu.dimension_semantics<subcore_parallel>], iteration_bounds = array<i64: 2, 16>, scalar_prefetch = 0 : i64, scratch_operands = 13 : i64, tpu.core_type = #tpu.core_type<sc_vector_subcore>, window_params = [{transform_indices = #map}, {transform_indices = #map}, {transform_indices = #map1}]} {
    %mul3A = arith.constant 2 : i32
    %mul3A_0 = arith.muli %arg1, %mul3A : i32
    %add3A = arith.addi %mul3A_0, %arg0 : i32
    %mul3A_1 = arith.constant 2 : i32
    %mul3A_2 = arith.muli %add3A, %mul3A_1 : i32
    %add3A_3 = arith.constant 0 : i32
    %add3A_4 = arith.addi %mul3A_2, %add3A_3 : i32
    "tpu.region"() ({
      %run_scoped3A = tpu.sem_alloc : memref<!tpu.dma_semaphore, #tpu.memory_space<semaphore_mem>>
      %dma_start3A_197 = arith.constant 0 : i32
      %dma_start3A_198 = tpu.memref_slice %arg3[%add3A_4, %dma_start3A_197] : memref<64x100000xf32, #tpu.memory_space<hbm>> -> memref<1x100000xf32, #tpu.memory_space<hbm>>
      %dma_start3A_199 = tpu.memref_squeeze %dma_start3A_198 : memref<1x100000xf32, #tpu.memory_space<hbm>> -> memref<100000xf32, #tpu.memory_space<hbm>>
      %dma_start3A_200 = arith.constant 0 : i32
      %dma_start3A_201 = tpu.memref_slice %arg3[%add3A_4, %dma_start3A_200] : memref<64x100000xf32, #tpu.memory_space<hbm>> -> memref<1x100000xf32, #tpu.memory_space<hbm>>
      %dma_start3A_202 = tpu.memref_squeeze %dma_start3A_201 : memref<1x100000xf32, #tpu.memory_space<hbm>> -> memref<100000xf32, #tpu.memory_space<hbm>>
      tpu.enqueue_dma source(%dma_start3A_202 : memref<100000xf32, #tpu.memory_space<hbm>>) target(%arg5 : memref<100000xf32, #tpu.memory_space<vmem>>) target_semaphore(%run_scoped3A : memref<!tpu.dma_semaphore, #tpu.memory_space<semaphore_mem>>)
      %dma_wait3A_203 = arith.constant 0 : i32
      %dma_wait3A_204 = tpu.memref_slice %arg3[%add3A_4, %dma_wait3A_203] : memref<64x100000xf32, #tpu.memory_space<hbm>> -> memref<1x100000xf32, #tpu.memory_space<hbm>>
      %dma_wait3A_205 = tpu.memref_squeeze %dma_wait3A_204 : memref<1x100000xf32, #tpu.memory_space<hbm>> -> memref<100000xf32, #tpu.memory_space<hbm>>
      %dma_wait3A_206 = arith.constant 0 : i32
      %dma_wait3A_207 = tpu.memref_slice %arg3[%add3A_4, %dma_wait3A_206] : memref<64x100000xf32, #tpu.memory_space<hbm>> -> memref<1x100000xf32, #tpu.memory_space<hbm>>
      %dma_wait3A_208 = tpu.memref_squeeze %dma_wait3A_207 : memref<1x100000xf32, #tpu.memory_space<hbm>> -> memref<100000xf32, #tpu.memory_space<hbm>>
      tpu.wait_dma2 semaphore(%run_scoped3A : memref<!tpu.dma_semaphore, #tpu.memory_space<semaphore_mem>>) src(%dma_wait3A_208 : memref<100000xf32, #tpu.memory_space<hbm>>) dst(%arg5 : memref<100000xf32, #tpu.memory_space<vmem>>)
      tpu.yield
    }) : () -> ()
    %dma_start3A = arith.constant 0 : i32
    %dma_start3A_5 = arith.constant 0 : i32
    %dma_start3A_6 = tpu.memref_slice %arg2[%dma_start3A, %dma_start3A_5] : memref<50x4096xi32, #tpu.memory_space<hbm>> -> memref<1x4096xi32, #tpu.memory_space<hbm>>
    %dma_start3A_7 = tpu.memref_squeeze %dma_start3A_6 : memref<1x4096xi32, #tpu.memory_space<hbm>> -> memref<4096xi32, #tpu.memory_space<hbm>>
    %dma_start3A_8 = arith.constant 0 : i32
    %dma_start3A_9 = tpu.memref_slice %arg2[%dma_start3A, %dma_start3A_8] : memref<50x4096xi32, #tpu.memory_space<hbm>> -> memref<1x4096xi32, #tpu.memory_space<hbm>>
    %dma_start3A_10 = tpu.memref_squeeze %dma_start3A_9 : memref<1x4096xi32, #tpu.memory_space<hbm>> -> memref<4096xi32, #tpu.memory_space<hbm>>
    tpu.enqueue_dma source(%dma_start3A_10 : memref<4096xi32, #tpu.memory_space<hbm>>) target(%arg6 : memref<4096xi32, #tpu.memory_space<vmem>>) target_semaphore(%arg12 : memref<!tpu.dma_semaphore, #tpu.memory_space<semaphore_mem>>)
    %dma_start3A_11 = arith.constant 1 : i32
    %dma_start3A_12 = arith.constant 0 : i32
    %dma_start3A_13 = tpu.memref_slice %arg2[%dma_start3A_11, %dma_start3A_12] : memref<50x4096xi32, #tpu.memory_space<hbm>> -> memref<1x4096xi32, #tpu.memory_space<hbm>>
    %dma_start3A_14 = tpu.memref_squeeze %dma_start3A_13 : memref<1x4096xi32, #tpu.memory_space<hbm>> -> memref<4096xi32, #tpu.memory_space<hbm>>
    %dma_start3A_15 = arith.constant 0 : i32
    %dma_start3A_16 = tpu.memref_slice %arg2[%dma_start3A_11, %dma_start3A_15] : memref<50x4096xi32, #tpu.memory_space<hbm>> -> memref<1x4096xi32, #tpu.memory_space<hbm>>
    %dma_start3A_17 = tpu.memref_squeeze %dma_start3A_16 : memref<1x4096xi32, #tpu.memory_space<hbm>> -> memref<4096xi32, #tpu.memory_space<hbm>>
    tpu.enqueue_dma source(%dma_start3A_17 : memref<4096xi32, #tpu.memory_space<hbm>>) target(%arg7 : memref<4096xi32, #tpu.memory_space<vmem>>) target_semaphore(%arg13 : memref<!tpu.dma_semaphore, #tpu.memory_space<semaphore_mem>>)
    %dma_start3A_18 = arith.constant 2 : i32
    %dma_start3A_19 = arith.constant 0 : i32
    %dma_start3A_20 = tpu.memref_slice %arg2[%dma_start3A_18, %dma_start3A_19] : memref<50x4096xi32, #tpu.memory_space<hbm>> -> memref<1x4096xi32, #tpu.memory_space<hbm>>
    %dma_start3A_21 = tpu.memref_squeeze %dma_start3A_20 : memref<1x4096xi32, #tpu.memory_space<hbm>> -> memref<4096xi32, #tpu.memory_space<hbm>>
    %dma_start3A_22 = arith.constant 0 : i32
    %dma_start3A_23 = tpu.memref_slice %arg2[%dma_start3A_18, %dma_start3A_22] : memref<50x4096xi32, #tpu.memory_space<hbm>> -> memref<1x4096xi32, #tpu.memory_space<hbm>>
    %dma_start3A_24 = tpu.memref_squeeze %dma_start3A_23 : memref<1x4096xi32, #tpu.memory_space<hbm>> -> memref<4096xi32, #tpu.memory_space<hbm>>
    tpu.enqueue_dma source(%dma_start3A_24 : memref<4096xi32, #tpu.memory_space<hbm>>) target(%arg8 : memref<4096xi32, #tpu.memory_space<vmem>>) target_semaphore(%arg14 : memref<!tpu.dma_semaphore, #tpu.memory_space<semaphore_mem>>)
    %dma_start3A_25 = arith.constant 3 : i32
    %dma_start3A_26 = arith.constant 0 : i32
    %dma_start3A_27 = tpu.memref_slice %arg2[%dma_start3A_25, %dma_start3A_26] : memref<50x4096xi32, #tpu.memory_space<hbm>> -> memref<1x4096xi32, #tpu.memory_space<hbm>>
    %dma_start3A_28 = tpu.memref_squeeze %dma_start3A_27 : memref<1x4096xi32, #tpu.memory_space<hbm>> -> memref<4096xi32, #tpu.memory_space<hbm>>
    %dma_start3A_29 = arith.constant 0 : i32
    %dma_start3A_30 = tpu.memref_slice %arg2[%dma_start3A_25, %dma_start3A_29] : memref<50x4096xi32, #tpu.memory_space<hbm>> -> memref<1x4096xi32, #tpu.memory_space<hbm>>
    %dma_start3A_31 = tpu.memref_squeeze %dma_start3A_30 : memref<1x4096xi32, #tpu.memory_space<hbm>> -> memref<4096xi32, #tpu.memory_space<hbm>>
    tpu.enqueue_dma source(%dma_start3A_31 : memref<4096xi32, #tpu.memory_space<hbm>>) target(%arg9 : memref<4096xi32, #tpu.memory_space<vmem>>) target_semaphore(%arg15 : memref<!tpu.dma_semaphore, #tpu.memory_space<semaphore_mem>>)
    %scan3A = arith.constant 0 : i32
    %scan3A_32 = arith.constant 0 : i32
    %scan3A_33 = arith.constant 12 : i32
    %scan3A_34 = arith.addi %scan3A_32, %scan3A_33 : i32
    %scan3A_35 = arith.constant 1 : i32
    scf.for %scan3A_197 = %scan3A_32 to %scan3A_34 step %scan3A_35  : i32 {
      %mul3A_198 = arith.constant 4 : i32
      %mul3A_199 = arith.muli %mul3A_198, %scan3A_197 : i32
      %add3A_200 = arith.constant 0 : i32
      %add3A_201 = arith.addi %mul3A_199, %add3A_200 : i32
      %gt3A = arith.constant 0 : i32
      %gt3A_202 = arith.cmpi sgt, %scan3A_197, %gt3A : i32
      %convert_element_type3A = arith.extui %gt3A_202 : i1 to i32
      %cond3A = arith.constant 0 : i32
      %cond3A_203 = arith.cmpi ne, %convert_element_type3A, %cond3A : i32
      scf.if %cond3A_203 {
        %dma_wait3A_320 = arith.constant 0 : i32
        %dma_wait3A_321 = tpu.memref_slice %arg4[%add3A_201, %add3A_4, %dma_wait3A_320] : memref<50x64x4096xf32, #tpu.memory_space<hbm>> -> memref<1x1x4096xf32, #tpu.memory_space<hbm>>
        %dma_wait3A_322 = tpu.memref_squeeze %dma_wait3A_321 : memref<1x1x4096xf32, #tpu.memory_space<hbm>> -> memref<4096xf32, #tpu.memory_space<hbm>>
        %dma_wait3A_323 = arith.constant 0 : i32
        %dma_wait3A_324 = tpu.memref_slice %arg4[%add3A_201, %add3A_4, %dma_wait3A_323] : memref<50x64x4096xf32, #tpu.memory_space<hbm>> -> memref<1x1x4096xf32, #tpu.memory_space<hbm>>
        %dma_wait3A_325 = tpu.memref_squeeze %dma_wait3A_324 : memref<1x1x4096xf32, #tpu.memory_space<hbm>> -> memref<4096xf32, #tpu.memory_space<hbm>>
        tpu.wait_dma2 semaphore(%arg16 : memref<!tpu.dma_semaphore, #tpu.memory_space<semaphore_mem>>) src(%arg10 : memref<4096xf32, #tpu.memory_space<vmem>>) dst(%dma_wait3A_325 : memref<4096xf32, #tpu.memory_space<hbm>>)
      } else {
      }
      %dma_wait3A_204 = arith.constant 0 : i32
      %dma_wait3A_205 = tpu.memref_slice %arg2[%add3A_201, %dma_wait3A_204] : memref<50x4096xi32, #tpu.memory_space<hbm>> -> memref<1x4096xi32, #tpu.memory_space<hbm>>
      %dma_wait3A_206 = tpu.memref_squeeze %dma_wait3A_205 : memref<1x4096xi32, #tpu.memory_space<hbm>> -> memref<4096xi32, #tpu.memory_space<hbm>>
      %dma_wait3A_207 = arith.constant 0 : i32
      %dma_wait3A_208 = tpu.memref_slice %arg2[%add3A_201, %dma_wait3A_207] : memref<50x4096xi32, #tpu.memory_space<hbm>> -> memref<1x4096xi32, #tpu.memory_space<hbm>>
      %dma_wait3A_209 = tpu.memref_squeeze %dma_wait3A_208 : memref<1x4096xi32, #tpu.memory_space<hbm>> -> memref<4096xi32, #tpu.memory_space<hbm>>
      tpu.wait_dma2 semaphore(%arg12 : memref<!tpu.dma_semaphore, #tpu.memory_space<semaphore_mem>>) src(%dma_wait3A_209 : memref<4096xi32, #tpu.memory_space<hbm>>) dst(%arg6 : memref<4096xi32, #tpu.memory_space<vmem>>)
      %parallel_loop3A_210 = arith.constant 0 : i32
      %parallel_loop3A_211 = arith.constant 256 : i32
      %parallel_loop3A_212 = arith.constant 1 : i32
      scf.for %parallel_loop3A_320 = %parallel_loop3A_210 to %parallel_loop3A_211 step %parallel_loop3A_212  : i32 {
        %parallel_loop3A_321 = arith.constant 16 : i32
        %parallel_loop3A_322 = arith.muli %parallel_loop3A_320, %parallel_loop3A_321 : i32
        %parallel_loop3A_323 = arith.index_cast %parallel_loop3A_322 : i32 to index
        %parallel_loop3A_324 = tpu.vector_load %arg6[%parallel_loop3A_323] {strides = array<i32>} : memref<4096xi32, #tpu.memory_space<vmem>>, vector<16xi32>,
        %parallel_loop3A_325 = tpu.vector_load_idx %arg5[%parallel_loop3A_324] : memref<100000xf32, #tpu.memory_space<vmem>>[vector<16xi32>], vector<16xf32>,
        %parallel_loop3A_326 = arith.constant 16 : i32
        %parallel_loop3A_327 = arith.muli %parallel_loop3A_320, %parallel_loop3A_326 : i32
        %parallel_loop3A_328 = arith.index_cast %parallel_loop3A_327 : i32 to index
        %parallel_loop3A_329 = tpu.vector_load %arg10[%parallel_loop3A_328] {strides = array<i32>} : memref<4096xf32, #tpu.memory_space<vmem>>, vector<16xf32>,
        tpu.vector_store %arg10[%parallel_loop3A_328], %parallel_loop3A_325 {strides = array<i32>} : memref<4096xf32, #tpu.memory_space<vmem>>, vector<16xf32>,
      } {sc.loop_unroll_factor = 8 : i64, sc.parallel_access}
      %dma_start3A_213 = arith.constant 0 : i32
      %dma_start3A_214 = tpu.memref_slice %arg4[%add3A_201, %add3A_4, %dma_start3A_213] : memref<50x64x4096xf32, #tpu.memory_space<hbm>> -> memref<1x1x4096xf32, #tpu.memory_space<hbm>>
      %dma_start3A_215 = tpu.memref_squeeze %dma_start3A_214 : memref<1x1x4096xf32, #tpu.memory_space<hbm>> -> memref<4096xf32, #tpu.memory_space<hbm>>
      %dma_start3A_216 = arith.constant 0 : i32
      %dma_start3A_217 = tpu.memref_slice %arg4[%add3A_201, %add3A_4, %dma_start3A_216] : memref<50x64x4096xf32, #tpu.memory_space<hbm>> -> memref<1x1x4096xf32, #tpu.memory_space<hbm>>
      %dma_start3A_218 = tpu.memref_squeeze %dma_start3A_217 : memref<1x1x4096xf32, #tpu.memory_space<hbm>> -> memref<4096xf32, #tpu.memory_space<hbm>>
      tpu.enqueue_dma source(%arg10 : memref<4096xf32, #tpu.memory_space<vmem>>) target(%dma_start3A_218 : memref<4096xf32, #tpu.memory_space<hbm>>) target_semaphore(%arg16 : memref<!tpu.dma_semaphore, #tpu.memory_space<semaphore_mem>>)
      %add3A_219 = arith.constant 4 : i32
      %add3A_220 = arith.addi %add3A_201, %add3A_219 : i32
      %lt3A = arith.constant 50 : i32
      %lt3A_221 = arith.cmpi slt, %add3A_220, %lt3A : i32
      %convert_element_type3A_222 = arith.extui %lt3A_221 : i1 to i32
      %cond3A_223 = arith.constant 0 : i32
      %cond3A_224 = arith.cmpi ne, %convert_element_type3A_222, %cond3A_223 : i32
      scf.if %cond3A_224 {
        %dma_start3A_320 = arith.constant 0 : i32
        %dma_start3A_321 = tpu.memref_slice %arg2[%add3A_220, %dma_start3A_320] : memref<50x4096xi32, #tpu.memory_space<hbm>> -> memref<1x4096xi32, #tpu.memory_space<hbm>>
        %dma_start3A_322 = tpu.memref_squeeze %dma_start3A_321 : memref<1x4096xi32, #tpu.memory_space<hbm>> -> memref<4096xi32, #tpu.memory_space<hbm>>
        %dma_start3A_323 = arith.constant 0 : i32
        %dma_start3A_324 = tpu.memref_slice %arg2[%add3A_220, %dma_start3A_323] : memref<50x4096xi32, #tpu.memory_space<hbm>> -> memref<1x4096xi32, #tpu.memory_space<hbm>>
        %dma_start3A_325 = tpu.memref_squeeze %dma_start3A_324 : memref<1x4096xi32, #tpu.memory_space<hbm>> -> memref<4096xi32, #tpu.memory_space<hbm>>
        tpu.enqueue_dma source(%dma_start3A_325 : memref<4096xi32, #tpu.memory_space<hbm>>) target(%arg6 : memref<4096xi32, #tpu.memory_space<vmem>>) target_semaphore(%arg12 : memref<!tpu.dma_semaphore, #tpu.memory_space<semaphore_mem>>)
      } else {
      }
      %mul3A_225 = arith.constant 4 : i32
      %mul3A_226 = arith.muli %mul3A_225, %scan3A_197 : i32
      %add3A_227 = arith.constant 1 : i32
      %add3A_228 = arith.addi %mul3A_226, %add3A_227 : i32
      %gt3A_229 = arith.constant 0 : i32
      %gt3A_230 = arith.cmpi sgt, %scan3A_197, %gt3A_229 : i32
      %convert_element_type3A_231 = arith.extui %gt3A_230 : i1 to i32
      %cond3A_232 = arith.constant 0 : i32
      %cond3A_233 = arith.cmpi ne, %convert_element_type3A_231, %cond3A_232 : i32
      scf.if %cond3A_233 {
        %dma_wait3A_320 = arith.constant 0 : i32
        %dma_wait3A_321 = tpu.memref_slice %arg4[%add3A_228, %add3A_4, %dma_wait3A_320] : memref<50x64x4096xf32, #tpu.memory_space<hbm>> -> memref<1x1x4096xf32, #tpu.memory_space<hbm>>
        %dma_wait3A_322 = tpu.memref_squeeze %dma_wait3A_321 : memref<1x1x4096xf32, #tpu.memory_space<hbm>> -> memref<4096xf32, #tpu.memory_space<hbm>>
        %dma_wait3A_323 = arith.constant 0 : i32
        %dma_wait3A_324 = tpu.memref_slice %arg4[%add3A_228, %add3A_4, %dma_wait3A_323] : memref<50x64x4096xf32, #tpu.memory_space<hbm>> -> memref<1x1x4096xf32, #tpu.memory_space<hbm>>
        %dma_wait3A_325 = tpu.memref_squeeze %dma_wait3A_324 : memref<1x1x4096xf32, #tpu.memory_space<hbm>> -> memref<4096xf32, #tpu.memory_space<hbm>>
        tpu.wait_dma2 semaphore(%arg17 : memref<!tpu.dma_semaphore, #tpu.memory_space<semaphore_mem>>) src(%arg11 : memref<4096xf32, #tpu.memory_space<vmem>>) dst(%dma_wait3A_325 : memref<4096xf32, #tpu.memory_space<hbm>>)
      } else {
      }
      %dma_wait3A_234 = arith.constant 0 : i32
      %dma_wait3A_235 = tpu.memref_slice %arg2[%add3A_228, %dma_wait3A_234] : memref<50x4096xi32, #tpu.memory_space<hbm>> -> memref<1x4096xi32, #tpu.memory_space<hbm>>
      %dma_wait3A_236 = tpu.memref_squeeze %dma_wait3A_235 : memref<1x4096xi32, #tpu.memory_space<hbm>> -> memref<4096xi32, #tpu.memory_space<hbm>>
      %dma_wait3A_237 = arith.constant 0 : i32
      %dma_wait3A_238 = tpu.memref_slice %arg2[%add3A_228, %dma_wait3A_237] : memref<50x4096xi32, #tpu.memory_space<hbm>> -> memref<1x4096xi32, #tpu.memory_space<hbm>>
      %dma_wait3A_239 = tpu.memref_squeeze %dma_wait3A_238 : memref<1x4096xi32, #tpu.memory_space<hbm>> -> memref<4096xi32, #tpu.memory_space<hbm>>
      tpu.wait_dma2 semaphore(%arg13 : memref<!tpu.dma_semaphore, #tpu.memory_space<semaphore_mem>>) src(%dma_wait3A_239 : memref<4096xi32, #tpu.memory_space<hbm>>) dst(%arg7 : memref<4096xi32, #tpu.memory_space<vmem>>)
      %parallel_loop3A_240 = arith.constant 0 : i32
      %parallel_loop3A_241 = arith.constant 256 : i32
      %parallel_loop3A_242 = arith.constant 1 : i32
      scf.for %parallel_loop3A_320 = %parallel_loop3A_240 to %parallel_loop3A_241 step %parallel_loop3A_242  : i32 {
        %parallel_loop3A_321 = arith.constant 16 : i32
        %parallel_loop3A_322 = arith.muli %parallel_loop3A_320, %parallel_loop3A_321 : i32
        %parallel_loop3A_323 = arith.index_cast %parallel_loop3A_322 : i32 to index
        %parallel_loop3A_324 = tpu.vector_load %arg7[%parallel_loop3A_323] {strides = array<i32>} : memref<4096xi32, #tpu.memory_space<vmem>>, vector<16xi32>,
        %parallel_loop3A_325 = tpu.vector_load_idx %arg5[%parallel_loop3A_324] : memref<100000xf32, #tpu.memory_space<vmem>>[vector<16xi32>], vector<16xf32>,
        %parallel_loop3A_326 = arith.constant 16 : i32
        %parallel_loop3A_327 = arith.muli %parallel_loop3A_320, %parallel_loop3A_326 : i32
        %parallel_loop3A_328 = arith.index_cast %parallel_loop3A_327 : i32 to index
        %parallel_loop3A_329 = tpu.vector_load %arg11[%parallel_loop3A_328] {strides = array<i32>} : memref<4096xf32, #tpu.memory_space<vmem>>, vector<16xf32>,
        tpu.vector_store %arg11[%parallel_loop3A_328], %parallel_loop3A_325 {strides = array<i32>} : memref<4096xf32, #tpu.memory_space<vmem>>, vector<16xf32>,
      } {sc.loop_unroll_factor = 8 : i64, sc.parallel_access}
      %dma_start3A_243 = arith.constant 0 : i32
      %dma_start3A_244 = tpu.memref_slice %arg4[%add3A_228, %add3A_4, %dma_start3A_243] : memref<50x64x4096xf32, #tpu.memory_space<hbm>> -> memref<1x1x4096xf32, #tpu.memory_space<hbm>>
      %dma_start3A_245 = tpu.memref_squeeze %dma_start3A_244 : memref<1x1x4096xf32, #tpu.memory_space<hbm>> -> memref<4096xf32, #tpu.memory_space<hbm>>
      %dma_start3A_246 = arith.constant 0 : i32
      %dma_start3A_247 = tpu.memref_slice %arg4[%add3A_228, %add3A_4, %dma_start3A_246] : memref<50x64x4096xf32, #tpu.memory_space<hbm>> -> memref<1x1x4096xf32, #tpu.memory_space<hbm>>
      %dma_start3A_248 = tpu.memref_squeeze %dma_start3A_247 : memref<1x1x4096xf32, #tpu.memory_space<hbm>> -> memref<4096xf32, #tpu.memory_space<hbm>>
      tpu.enqueue_dma source(%arg11 : memref<4096xf32, #tpu.memory_space<vmem>>) target(%dma_start3A_248 : memref<4096xf32, #tpu.memory_space<hbm>>) target_semaphore(%arg17 : memref<!tpu.dma_semaphore, #tpu.memory_space<semaphore_mem>>)
      %add3A_249 = arith.constant 4 : i32
      %add3A_250 = arith.addi %add3A_228, %add3A_249 : i32
      %lt3A_251 = arith.constant 50 : i32
      %lt3A_252 = arith.cmpi slt, %add3A_250, %lt3A_251 : i32
      %convert_element_type3A_253 = arith.extui %lt3A_252 : i1 to i32
      %cond3A_254 = arith.constant 0 : i32
      %cond3A_255 = arith.cmpi ne, %convert_element_type3A_253, %cond3A_254 : i32
      scf.if %cond3A_255 {
        %dma_start3A_320 = arith.constant 0 : i32
        %dma_start3A_321 = tpu.memref_slice %arg2[%add3A_250, %dma_start3A_320] : memref<50x4096xi32, #tpu.memory_space<hbm>> -> memref<1x4096xi32, #tpu.memory_space<hbm>>
        %dma_start3A_322 = tpu.memref_squeeze %dma_start3A_321 : memref<1x4096xi32, #tpu.memory_space<hbm>> -> memref<4096xi32, #tpu.memory_space<hbm>>
        %dma_start3A_323 = arith.constant 0 : i32
        %dma_start3A_324 = tpu.memref_slice %arg2[%add3A_250, %dma_start3A_323] : memref<50x4096xi32, #tpu.memory_space<hbm>> -> memref<1x4096xi32, #tpu.memory_space<hbm>>
        %dma_start3A_325 = tpu.memref_squeeze %dma_start3A_324 : memref<1x4096xi32, #tpu.memory_space<hbm>> -> memref<4096xi32, #tpu.memory_space<hbm>>
        tpu.enqueue_dma source(%dma_start3A_325 : memref<4096xi32, #tpu.memory_space<hbm>>) target(%arg7 : memref<4096xi32, #tpu.memory_space<vmem>>) target_semaphore(%arg13 : memref<!tpu.dma_semaphore, #tpu.memory_space<semaphore_mem>>)
      } else {
      }
      %mul3A_256 = arith.constant 4 : i32
      %mul3A_257 = arith.muli %mul3A_256, %scan3A_197 : i32
      %add3A_258 = arith.constant 2 : i32
      %add3A_259 = arith.addi %mul3A_257, %add3A_258 : i32
      %dma_wait3A_260 = arith.constant 0 : i32
      %dma_wait3A_261 = tpu.memref_slice %arg4[%add3A_259, %add3A_4, %dma_wait3A_260] : memref<50x64x4096xf32, #tpu.memory_space<hbm>> -> memref<1x1x4096xf32, #tpu.memory_space<hbm>>
      %dma_wait3A_262 = tpu.memref_squeeze %dma_wait3A_261 : memref<1x1x4096xf32, #tpu.memory_space<hbm>> -> memref<4096xf32, #tpu.memory_space<hbm>>
      %dma_wait3A_263 = arith.constant 0 : i32
      %dma_wait3A_264 = tpu.memref_slice %arg4[%add3A_259, %add3A_4, %dma_wait3A_263] : memref<50x64x4096xf32, #tpu.memory_space<hbm>> -> memref<1x1x4096xf32, #tpu.memory_space<hbm>>
      %dma_wait3A_265 = tpu.memref_squeeze %dma_wait3A_264 : memref<1x1x4096xf32, #tpu.memory_space<hbm>> -> memref<4096xf32, #tpu.memory_space<hbm>>
      tpu.wait_dma2 semaphore(%arg16 : memref<!tpu.dma_semaphore, #tpu.memory_space<semaphore_mem>>) src(%arg10 : memref<4096xf32, #tpu.memory_space<vmem>>) dst(%dma_wait3A_265 : memref<4096xf32, #tpu.memory_space<hbm>>)
      %dma_wait3A_266 = arith.constant 0 : i32
      %dma_wait3A_267 = tpu.memref_slice %arg2[%add3A_259, %dma_wait3A_266] : memref<50x4096xi32, #tpu.memory_space<hbm>> -> memref<1x4096xi32, #tpu.memory_space<hbm>>
      %dma_wait3A_268 = tpu.memref_squeeze %dma_wait3A_267 : memref<1x4096xi32, #tpu.memory_space<hbm>> -> memref<4096xi32, #tpu.memory_space<hbm>>
      %dma_wait3A_269 = arith.constant 0 : i32
      %dma_wait3A_270 = tpu.memref_slice %arg2[%add3A_259, %dma_wait3A_269] : memref<50x4096xi32, #tpu.memory_space<hbm>> -> memref<1x4096xi32, #tpu.memory_space<hbm>>
      %dma_wait3A_271 = tpu.memref_squeeze %dma_wait3A_270 : memref<1x4096xi32, #tpu.memory_space<hbm>> -> memref<4096xi32, #tpu.memory_space<hbm>>
      tpu.wait_dma2 semaphore(%arg14 : memref<!tpu.dma_semaphore, #tpu.memory_space<semaphore_mem>>) src(%dma_wait3A_271 : memref<4096xi32, #tpu.memory_space<hbm>>) dst(%arg8 : memref<4096xi32, #tpu.memory_space<vmem>>)
      %parallel_loop3A_272 = arith.constant 0 : i32
      %parallel_loop3A_273 = arith.constant 256 : i32
      %parallel_loop3A_274 = arith.constant 1 : i32
      scf.for %parallel_loop3A_320 = %parallel_loop3A_272 to %parallel_loop3A_273 step %parallel_loop3A_274  : i32 {
        %parallel_loop3A_321 = arith.constant 16 : i32
        %parallel_loop3A_322 = arith.muli %parallel_loop3A_320, %parallel_loop3A_321 : i32
        %parallel_loop3A_323 = arith.index_cast %parallel_loop3A_322 : i32 to index
        %parallel_loop3A_324 = tpu.vector_load %arg8[%parallel_loop3A_323] {strides = array<i32>} : memref<4096xi32, #tpu.memory_space<vmem>>, vector<16xi32>,
        %parallel_loop3A_325 = tpu.vector_load_idx %arg5[%parallel_loop3A_324] : memref<100000xf32, #tpu.memory_space<vmem>>[vector<16xi32>], vector<16xf32>,
        %parallel_loop3A_326 = arith.constant 16 : i32
        %parallel_loop3A_327 = arith.muli %parallel_loop3A_320, %parallel_loop3A_326 : i32
        %parallel_loop3A_328 = arith.index_cast %parallel_loop3A_327 : i32 to index
        %parallel_loop3A_329 = tpu.vector_load %arg10[%parallel_loop3A_328] {strides = array<i32>} : memref<4096xf32, #tpu.memory_space<vmem>>, vector<16xf32>,
        tpu.vector_store %arg10[%parallel_loop3A_328], %parallel_loop3A_325 {strides = array<i32>} : memref<4096xf32, #tpu.memory_space<vmem>>, vector<16xf32>,
      } {sc.loop_unroll_factor = 8 : i64, sc.parallel_access}
      %dma_start3A_275 = arith.constant 0 : i32
      %dma_start3A_276 = tpu.memref_slice %arg4[%add3A_259, %add3A_4, %dma_start3A_275] : memref<50x64x4096xf32, #tpu.memory_space<hbm>> -> memref<1x1x4096xf32, #tpu.memory_space<hbm>>
      %dma_start3A_277 = tpu.memref_squeeze %dma_start3A_276 : memref<1x1x4096xf32, #tpu.memory_space<hbm>> -> memref<4096xf32, #tpu.memory_space<hbm>>
      %dma_start3A_278 = arith.constant 0 : i32
      %dma_start3A_279 = tpu.memref_slice %arg4[%add3A_259, %add3A_4, %dma_start3A_278] : memref<50x64x4096xf32, #tpu.memory_space<hbm>> -> memref<1x1x4096xf32, #tpu.memory_space<hbm>>
      %dma_start3A_280 = tpu.memref_squeeze %dma_start3A_279 : memref<1x1x4096xf32, #tpu.memory_space<hbm>> -> memref<4096xf32, #tpu.memory_space<hbm>>
      tpu.enqueue_dma source(%arg10 : memref<4096xf32, #tpu.memory_space<vmem>>) target(%dma_start3A_280 : memref<4096xf32, #tpu.memory_space<hbm>>) target_semaphore(%arg16 : memref<!tpu.dma_semaphore, #tpu.memory_space<semaphore_mem>>)
      %add3A_281 = arith.constant 4 : i32
      %add3A_282 = arith.addi %add3A_259, %add3A_281 : i32
      %lt3A_283 = arith.constant 50 : i32
      %lt3A_284 = arith.cmpi slt, %add3A_282, %lt3A_283 : i32
      %convert_element_type3A_285 = arith.extui %lt3A_284 : i1 to i32
      %cond3A_286 = arith.constant 0 : i32
      %cond3A_287 = arith.cmpi ne, %convert_element_type3A_285, %cond3A_286 : i32
      scf.if %cond3A_287 {
        %dma_start3A_320 = arith.constant 0 : i32
        %dma_start3A_321 = tpu.memref_slice %arg2[%add3A_282, %dma_start3A_320] : memref<50x4096xi32, #tpu.memory_space<hbm>> -> memref<1x4096xi32, #tpu.memory_space<hbm>>
        %dma_start3A_322 = tpu.memref_squeeze %dma_start3A_321 : memref<1x4096xi32, #tpu.memory_space<hbm>> -> memref<4096xi32, #tpu.memory_space<hbm>>
        %dma_start3A_323 = arith.constant 0 : i32
        %dma_start3A_324 = tpu.memref_slice %arg2[%add3A_282, %dma_start3A_323] : memref<50x4096xi32, #tpu.memory_space<hbm>> -> memref<1x4096xi32, #tpu.memory_space<hbm>>
        %dma_start3A_325 = tpu.memref_squeeze %dma_start3A_324 : memref<1x4096xi32, #tpu.memory_space<hbm>> -> memref<4096xi32, #tpu.memory_space<hbm>>
        tpu.enqueue_dma source(%dma_start3A_325 : memref<4096xi32, #tpu.memory_space<hbm>>) target(%arg8 : memref<4096xi32, #tpu.memory_space<vmem>>) target_semaphore(%arg14 : memref<!tpu.dma_semaphore, #tpu.memory_space<semaphore_mem>>)
      } else {
      }
      %mul3A_288 = arith.constant 4 : i32
      %mul3A_289 = arith.muli %mul3A_288, %scan3A_197 : i32
      %add3A_290 = arith.constant 3 : i32
      %add3A_291 = arith.addi %mul3A_289, %add3A_290 : i32
      %dma_wait3A_292 = arith.constant 0 : i32
      %dma_wait3A_293 = tpu.memref_slice %arg4[%add3A_291, %add3A_4, %dma_wait3A_292] : memref<50x64x4096xf32, #tpu.memory_space<hbm>> -> memref<1x1x4096xf32, #tpu.memory_space<hbm>>
      %dma_wait3A_294 = tpu.memref_squeeze %dma_wait3A_293 : memref<1x1x4096xf32, #tpu.memory_space<hbm>> -> memref<4096xf32, #tpu.memory_space<hbm>>
      %dma_wait3A_295 = arith.constant 0 : i32
      %dma_wait3A_296 = tpu.memref_slice %arg4[%add3A_291, %add3A_4, %dma_wait3A_295] : memref<50x64x4096xf32, #tpu.memory_space<hbm>> -> memref<1x1x4096xf32, #tpu.memory_space<hbm>>
      %dma_wait3A_297 = tpu.memref_squeeze %dma_wait3A_296 : memref<1x1x4096xf32, #tpu.memory_space<hbm>> -> memref<4096xf32, #tpu.memory_space<hbm>>
      tpu.wait_dma2 semaphore(%arg17 : memref<!tpu.dma_semaphore, #tpu.memory_space<semaphore_mem>>) src(%arg11 : memref<4096xf32, #tpu.memory_space<vmem>>) dst(%dma_wait3A_297 : memref<4096xf32, #tpu.memory_space<hbm>>)
      %dma_wait3A_298 = arith.constant 0 : i32
      %dma_wait3A_299 = tpu.memref_slice %arg2[%add3A_291, %dma_wait3A_298] : memref<50x4096xi32, #tpu.memory_space<hbm>> -> memref<1x4096xi32, #tpu.memory_space<hbm>>
      %dma_wait3A_300 = tpu.memref_squeeze %dma_wait3A_299 : memref<1x4096xi32, #tpu.memory_space<hbm>> -> memref<4096xi32, #tpu.memory_space<hbm>>
      %dma_wait3A_301 = arith.constant 0 : i32
      %dma_wait3A_302 = tpu.memref_slice %arg2[%add3A_291, %dma_wait3A_301] : memref<50x4096xi32, #tpu.memory_space<hbm>> -> memref<1x4096xi32, #tpu.memory_space<hbm>>
      %dma_wait3A_303 = tpu.memref_squeeze %dma_wait3A_302 : memref<1x4096xi32, #tpu.memory_space<hbm>> -> memref<4096xi32, #tpu.memory_space<hbm>>
      tpu.wait_dma2 semaphore(%arg15 : memref<!tpu.dma_semaphore, #tpu.memory_space<semaphore_mem>>) src(%dma_wait3A_303 : memref<4096xi32, #tpu.memory_space<hbm>>) dst(%arg9 : memref<4096xi32, #tpu.memory_space<vmem>>)
      %parallel_loop3A_304 = arith.constant 0 : i32
      %parallel_loop3A_305 = arith.constant 256 : i32
      %parallel_loop3A_306 = arith.constant 1 : i32
      scf.for %parallel_loop3A_320 = %parallel_loop3A_304 to %parallel_loop3A_305 step %parallel_loop3A_306  : i32 {
        %parallel_loop3A_321 = arith.constant 16 : i32
        %parallel_loop3A_322 = arith.muli %parallel_loop3A_320, %parallel_loop3A_321 : i32
        %parallel_loop3A_323 = arith.index_cast %parallel_loop3A_322 : i32 to index
        %parallel_loop3A_324 = tpu.vector_load %arg9[%parallel_loop3A_323] {strides = array<i32>} : memref<4096xi32, #tpu.memory_space<vmem>>, vector<16xi32>,
        %parallel_loop3A_325 = tpu.vector_load_idx %arg5[%parallel_loop3A_324] : memref<100000xf32, #tpu.memory_space<vmem>>[vector<16xi32>], vector<16xf32>,
        %parallel_loop3A_326 = arith.constant 16 : i32
        %parallel_loop3A_327 = arith.muli %parallel_loop3A_320, %parallel_loop3A_326 : i32
        %parallel_loop3A_328 = arith.index_cast %parallel_loop3A_327 : i32 to index
        %parallel_loop3A_329 = tpu.vector_load %arg11[%parallel_loop3A_328] {strides = array<i32>} : memref<4096xf32, #tpu.memory_space<vmem>>, vector<16xf32>,
        tpu.vector_store %arg11[%parallel_loop3A_328], %parallel_loop3A_325 {strides = array<i32>} : memref<4096xf32, #tpu.memory_space<vmem>>, vector<16xf32>,
      } {sc.loop_unroll_factor = 8 : i64, sc.parallel_access}
      %dma_start3A_307 = arith.constant 0 : i32
      %dma_start3A_308 = tpu.memref_slice %arg4[%add3A_291, %add3A_4, %dma_start3A_307] : memref<50x64x4096xf32, #tpu.memory_space<hbm>> -> memref<1x1x4096xf32, #tpu.memory_space<hbm>>
      %dma_start3A_309 = tpu.memref_squeeze %dma_start3A_308 : memref<1x1x4096xf32, #tpu.memory_space<hbm>> -> memref<4096xf32, #tpu.memory_space<hbm>>
      %dma_start3A_310 = arith.constant 0 : i32
      %dma_start3A_311 = tpu.memref_slice %arg4[%add3A_291, %add3A_4, %dma_start3A_310] : memref<50x64x4096xf32, #tpu.memory_space<hbm>> -> memref<1x1x4096xf32, #tpu.memory_space<hbm>>
      %dma_start3A_312 = tpu.memref_squeeze %dma_start3A_311 : memref<1x1x4096xf32, #tpu.memory_space<hbm>> -> memref<4096xf32, #tpu.memory_space<hbm>>
      tpu.enqueue_dma source(%arg11 : memref<4096xf32, #tpu.memory_space<vmem>>) target(%dma_start3A_312 : memref<4096xf32, #tpu.memory_space<hbm>>) target_semaphore(%arg17 : memref<!tpu.dma_semaphore, #tpu.memory_space<semaphore_mem>>)
      %add3A_313 = arith.constant 4 : i32
      %add3A_314 = arith.addi %add3A_291, %add3A_313 : i32
      %lt3A_315 = arith.constant 50 : i32
      %lt3A_316 = arith.cmpi slt, %add3A_314, %lt3A_315 : i32
      %convert_element_type3A_317 = arith.extui %lt3A_316 : i1 to i32
      %cond3A_318 = arith.constant 0 : i32
      %cond3A_319 = arith.cmpi ne, %convert_element_type3A_317, %cond3A_318 : i32
      scf.if %cond3A_319 {
        %dma_start3A_320 = arith.constant 0 : i32
        %dma_start3A_321 = tpu.memref_slice %arg2[%add3A_314, %dma_start3A_320] : memref<50x4096xi32, #tpu.memory_space<hbm>> -> memref<1x4096xi32, #tpu.memory_space<hbm>>
        %dma_start3A_322 = tpu.memref_squeeze %dma_start3A_321 : memref<1x4096xi32, #tpu.memory_space<hbm>> -> memref<4096xi32, #tpu.memory_space<hbm>>
        %dma_start3A_323 = arith.constant 0 : i32
        %dma_start3A_324 = tpu.memref_slice %arg2[%add3A_314, %dma_start3A_323] : memref<50x4096xi32, #tpu.memory_space<hbm>> -> memref<1x4096xi32, #tpu.memory_space<hbm>>
        %dma_start3A_325 = tpu.memref_squeeze %dma_start3A_324 : memref<1x4096xi32, #tpu.memory_space<hbm>> -> memref<4096xi32, #tpu.memory_space<hbm>>
        tpu.enqueue_dma source(%dma_start3A_325 : memref<4096xi32, #tpu.memory_space<hbm>>) target(%arg9 : memref<4096xi32, #tpu.memory_space<vmem>>) target_semaphore(%arg15 : memref<!tpu.dma_semaphore, #tpu.memory_space<semaphore_mem>>)
      } else {
      }
    }
    %scan3A_36 = arith.constant 12 : i32
    %dma_wait3A = arith.constant 48 : i32
    %dma_wait3A_37 = arith.constant 0 : i32
    %dma_wait3A_38 = tpu.memref_slice %arg4[%dma_wait3A, %add3A_4, %dma_wait3A_37] : memref<50x64x4096xf32, #tpu.memory_space<hbm>> -> memref<1x1x4096xf32, #tpu.memory_space<hbm>>
    %dma_wait3A_39 = tpu.memref_squeeze %dma_wait3A_38 : memref<1x1x4096xf32, #tpu.memory_space<hbm>> -> memref<4096xf32, #tpu.memory_space<hbm>>
    %dma_wait3A_40 = arith.constant 0 : i32
    %dma_wait3A_41 = tpu.memref_slice %arg4[%dma_wait3A, %add3A_4, %dma_wait3A_40] : memref<50x64x4096xf32, #tpu.memory_space<hbm>> -> memref<1x1x4096xf32, #tpu.memory_space<hbm>>
    %dma_wait3A_42 = tpu.memref_squeeze %dma_wait3A_41 : memref<1x1x4096xf32, #tpu.memory_space<hbm>> -> memref<4096xf32, #tpu.memory_space<hbm>>
    tpu.wait_dma2 semaphore(%arg16 : memref<!tpu.dma_semaphore, #tpu.memory_space<semaphore_mem>>) src(%arg10 : memref<4096xf32, #tpu.memory_space<vmem>>) dst(%dma_wait3A_42 : memref<4096xf32, #tpu.memory_space<hbm>>)
    %dma_wait3A_43 = arith.constant 48 : i32
    %dma_wait3A_44 = arith.constant 0 : i32
    %dma_wait3A_45 = tpu.memref_slice %arg2[%dma_wait3A_43, %dma_wait3A_44] : memref<50x4096xi32, #tpu.memory_space<hbm>> -> memref<1x4096xi32, #tpu.memory_space<hbm>>
    %dma_wait3A_46 = tpu.memref_squeeze %dma_wait3A_45 : memref<1x4096xi32, #tpu.memory_space<hbm>> -> memref<4096xi32, #tpu.memory_space<hbm>>
    %dma_wait3A_47 = arith.constant 0 : i32
    %dma_wait3A_48 = tpu.memref_slice %arg2[%dma_wait3A_43, %dma_wait3A_47] : memref<50x4096xi32, #tpu.memory_space<hbm>> -> memref<1x4096xi32, #tpu.memory_space<hbm>>
    %dma_wait3A_49 = tpu.memref_squeeze %dma_wait3A_48 : memref<1x4096xi32, #tpu.memory_space<hbm>> -> memref<4096xi32, #tpu.memory_space<hbm>>
    tpu.wait_dma2 semaphore(%arg12 : memref<!tpu.dma_semaphore, #tpu.memory_space<semaphore_mem>>) src(%dma_wait3A_49 : memref<4096xi32, #tpu.memory_space<hbm>>) dst(%arg6 : memref<4096xi32, #tpu.memory_space<vmem>>)
    %parallel_loop3A = arith.constant 0 : i32
    %parallel_loop3A_50 = arith.constant 256 : i32
    %parallel_loop3A_51 = arith.constant 1 : i32
    scf.for %parallel_loop3A_197 = %parallel_loop3A to %parallel_loop3A_50 step %parallel_loop3A_51  : i32 {
      %parallel_loop3A_198 = arith.constant 16 : i32
      %parallel_loop3A_199 = arith.muli %parallel_loop3A_197, %parallel_loop3A_198 : i32
      %parallel_loop3A_200 = arith.index_cast %parallel_loop3A_199 : i32 to index
      %parallel_loop3A_201 = tpu.vector_load %arg6[%parallel_loop3A_200] {strides = array<i32>} : memref<4096xi32, #tpu.memory_space<vmem>>, vector<16xi32>,
      %parallel_loop3A_202 = tpu.vector_load_idx %arg5[%parallel_loop3A_201] : memref<100000xf32, #tpu.memory_space<vmem>>[vector<16xi32>], vector<16xf32>,
      %parallel_loop3A_203 = arith.constant 16 : i32
      %parallel_loop3A_204 = arith.muli %parallel_loop3A_197, %parallel_loop3A_203 : i32
      %parallel_loop3A_205 = arith.index_cast %parallel_loop3A_204 : i32 to index
      %parallel_loop3A_206 = tpu.vector_load %arg10[%parallel_loop3A_205] {strides = array<i32>} : memref<4096xf32, #tpu.memory_space<vmem>>, vector<16xf32>,
      tpu.vector_store %arg10[%parallel_loop3A_205], %parallel_loop3A_202 {strides = array<i32>} : memref<4096xf32, #tpu.memory_space<vmem>>, vector<16xf32>,
    } {sc.loop_unroll_factor = 8 : i64, sc.parallel_access}
    %dma_start3A_52 = arith.constant 48 : i32
    %dma_start3A_53 = arith.constant 0 : i32
    %dma_start3A_54 = tpu.memref_slice %arg4[%dma_start3A_52, %add3A_4, %dma_start3A_53] : memref<50x64x4096xf32, #tpu.memory_space<hbm>> -> memref<1x1x4096xf32, #tpu.memory_space<hbm>>
    %dma_start3A_55 = tpu.memref_squeeze %dma_start3A_54 : memref<1x1x4096xf32, #tpu.memory_space<hbm>> -> memref<4096xf32, #tpu.memory_space<hbm>>
    %dma_start3A_56 = arith.constant 0 : i32
    %dma_start3A_57 = tpu.memref_slice %arg4[%dma_start3A_52, %add3A_4, %dma_start3A_56] : memref<50x64x4096xf32, #tpu.memory_space<hbm>> -> memref<1x1x4096xf32, #tpu.memory_space<hbm>>
    %dma_start3A_58 = tpu.memref_squeeze %dma_start3A_57 : memref<1x1x4096xf32, #tpu.memory_space<hbm>> -> memref<4096xf32, #tpu.memory_space<hbm>>
    tpu.enqueue_dma source(%arg10 : memref<4096xf32, #tpu.memory_space<vmem>>) target(%dma_start3A_58 : memref<4096xf32, #tpu.memory_space<hbm>>) target_semaphore(%arg16 : memref<!tpu.dma_semaphore, #tpu.memory_space<semaphore_mem>>)
    %dma_wait3A_59 = arith.constant 49 : i32
    %dma_wait3A_60 = arith.constant 0 : i32
    %dma_wait3A_61 = tpu.memref_slice %arg4[%dma_wait3A_59, %add3A_4, %dma_wait3A_60] : memref<50x64x4096xf32, #tpu.memory_space<hbm>> -> memref<1x1x4096xf32, #tpu.memory_space<hbm>>
    %dma_wait3A_62 = tpu.memref_squeeze %dma_wait3A_61 : memref<1x1x4096xf32, #tpu.memory_space<hbm>> -> memref<4096xf32, #tpu.memory_space<hbm>>
    %dma_wait3A_63 = arith.constant 0 : i32
    %dma_wait3A_64 = tpu.memref_slice %arg4[%dma_wait3A_59, %add3A_4, %dma_wait3A_63] : memref<50x64x4096xf32, #tpu.memory_space<hbm>> -> memref<1x1x4096xf32, #tpu.memory_space<hbm>>
    %dma_wait3A_65 = tpu.memref_squeeze %dma_wait3A_64 : memref<1x1x4096xf32, #tpu.memory_space<hbm>> -> memref<4096xf32, #tpu.memory_space<hbm>>
    tpu.wait_dma2 semaphore(%arg17 : memref<!tpu.dma_semaphore, #tpu.memory_space<semaphore_mem>>) src(%arg11 : memref<4096xf32, #tpu.memory_space<vmem>>) dst(%dma_wait3A_65 : memref<4096xf32, #tpu.memory_space<hbm>>)
    %dma_wait3A_66 = arith.constant 49 : i32
    %dma_wait3A_67 = arith.constant 0 : i32
    %dma_wait3A_68 = tpu.memref_slice %arg2[%dma_wait3A_66, %dma_wait3A_67] : memref<50x4096xi32, #tpu.memory_space<hbm>> -> memref<1x4096xi32, #tpu.memory_space<hbm>>
    %dma_wait3A_69 = tpu.memref_squeeze %dma_wait3A_68 : memref<1x4096xi32, #tpu.memory_space<hbm>> -> memref<4096xi32, #tpu.memory_space<hbm>>
    %dma_wait3A_70 = arith.constant 0 : i32
    %dma_wait3A_71 = tpu.memref_slice %arg2[%dma_wait3A_66, %dma_wait3A_70] : memref<50x4096xi32, #tpu.memory_space<hbm>> -> memref<1x4096xi32, #tpu.memory_space<hbm>>
    %dma_wait3A_72 = tpu.memref_squeeze %dma_wait3A_71 : memref<1x4096xi32, #tpu.memory_space<hbm>> -> memref<4096xi32, #tpu.memory_space<hbm>>
    tpu.wait_dma2 semaphore(%arg13 : memref<!tpu.dma_semaphore, #tpu.memory_space<semaphore_mem>>) src(%dma_wait3A_72 : memref<4096xi32, #tpu.memory_space<hbm>>) dst(%arg7 : memref<4096xi32, #tpu.memory_space<vmem>>)
    %parallel_loop3A_73 = arith.constant 0 : i32
    %parallel_loop3A_74 = arith.constant 256 : i32
    %parallel_loop3A_75 = arith.constant 1 : i32
    scf.for %parallel_loop3A_197 = %parallel_loop3A_73 to %parallel_loop3A_74 step %parallel_loop3A_75  : i32 {
      %parallel_loop3A_198 = arith.constant 16 : i32
      %parallel_loop3A_199 = arith.muli %parallel_loop3A_197, %parallel_loop3A_198 : i32
      %parallel_loop3A_200 = arith.index_cast %parallel_loop3A_199 : i32 to index
      %parallel_loop3A_201 = tpu.vector_load %arg7[%parallel_loop3A_200] {strides = array<i32>} : memref<4096xi32, #tpu.memory_space<vmem>>, vector<16xi32>,
      %parallel_loop3A_202 = tpu.vector_load_idx %arg5[%parallel_loop3A_201] : memref<100000xf32, #tpu.memory_space<vmem>>[vector<16xi32>], vector<16xf32>,
      %parallel_loop3A_203 = arith.constant 16 : i32
      %parallel_loop3A_204 = arith.muli %parallel_loop3A_197, %parallel_loop3A_203 : i32
      %parallel_loop3A_205 = arith.index_cast %parallel_loop3A_204 : i32 to index
      %parallel_loop3A_206 = tpu.vector_load %arg11[%parallel_loop3A_205] {strides = array<i32>} : memref<4096xf32, #tpu.memory_space<vmem>>, vector<16xf32>,
      tpu.vector_store %arg11[%parallel_loop3A_205], %parallel_loop3A_202 {strides = array<i32>} : memref<4096xf32, #tpu.memory_space<vmem>>, vector<16xf32>,
    } {sc.loop_unroll_factor = 8 : i64, sc.parallel_access}
    %dma_start3A_76 = arith.constant 49 : i32
    %dma_start3A_77 = arith.constant 0 : i32
    %dma_start3A_78 = tpu.memref_slice %arg4[%dma_start3A_76, %add3A_4, %dma_start3A_77] : memref<50x64x4096xf32, #tpu.memory_space<hbm>> -> memref<1x1x4096xf32, #tpu.memory_space<hbm>>
    %dma_start3A_79 = tpu.memref_squeeze %dma_start3A_78 : memref<1x1x4096xf32, #tpu.memory_space<hbm>> -> memref<4096xf32, #tpu.memory_space<hbm>>
    %dma_start3A_80 = arith.constant 0 : i32
    %dma_start3A_81 = tpu.memref_slice %arg4[%dma_start3A_76, %add3A_4, %dma_start3A_80] : memref<50x64x4096xf32, #tpu.memory_space<hbm>> -> memref<1x1x4096xf32, #tpu.memory_space<hbm>>
    %dma_start3A_82 = tpu.memref_squeeze %dma_start3A_81 : memref<1x1x4096xf32, #tpu.memory_space<hbm>> -> memref<4096xf32, #tpu.memory_space<hbm>>
    tpu.enqueue_dma source(%arg11 : memref<4096xf32, #tpu.memory_space<vmem>>) target(%dma_start3A_82 : memref<4096xf32, #tpu.memory_space<hbm>>) target_semaphore(%arg17 : memref<!tpu.dma_semaphore, #tpu.memory_space<semaphore_mem>>)
    %dma_wait3A_83 = arith.constant 0 : i32
    %dma_wait3A_84 = arith.constant 0 : i32
    %dma_wait3A_85 = tpu.memref_slice %arg4[%dma_wait3A_83, %add3A_4, %dma_wait3A_84] : memref<50x64x4096xf32, #tpu.memory_space<hbm>> -> memref<1x1x4096xf32, #tpu.memory_space<hbm>>
    %dma_wait3A_86 = tpu.memref_squeeze %dma_wait3A_85 : memref<1x1x4096xf32, #tpu.memory_space<hbm>> -> memref<4096xf32, #tpu.memory_space<hbm>>
    %dma_wait3A_87 = arith.constant 0 : i32
    %dma_wait3A_88 = tpu.memref_slice %arg4[%dma_wait3A_83, %add3A_4, %dma_wait3A_87] : memref<50x64x4096xf32, #tpu.memory_space<hbm>> -> memref<1x1x4096xf32, #tpu.memory_space<hbm>>
    %dma_wait3A_89 = tpu.memref_squeeze %dma_wait3A_88 : memref<1x1x4096xf32, #tpu.memory_space<hbm>> -> memref<4096xf32, #tpu.memory_space<hbm>>
    tpu.wait_dma2 semaphore(%arg16 : memref<!tpu.dma_semaphore, #tpu.memory_space<semaphore_mem>>) src(%arg10 : memref<4096xf32, #tpu.memory_space<vmem>>) dst(%dma_wait3A_89 : memref<4096xf32, #tpu.memory_space<hbm>>)
    %dma_wait3A_90 = arith.constant 0 : i32
    %dma_wait3A_91 = arith.constant 0 : i32
    %dma_wait3A_92 = tpu.memref_slice %arg4[%dma_wait3A_90, %add3A_4, %dma_wait3A_91] : memref<50x64x4096xf32, #tpu.memory_space<hbm>> -> memref<1x1x4096xf32, #tpu.memory_space<hbm>>
    %dma_wait3A_93 = tpu.memref_squeeze %dma_wait3A_92 : memref<1x1x4096xf32, #tpu.memory_space<hbm>> -> memref<4096xf32, #tpu.memory_space<hbm>>
    %dma_wait3A_94 = arith.constant 0 : i32
    %dma_wait3A_95 = tpu.memref_slice %arg4[%dma_wait3A_90, %add3A_4, %dma_wait3A_94] : memref<50x64x4096xf32, #tpu.memory_space<hbm>> -> memref<1x1x4096xf32, #tpu.memory_space<hbm>>
    %dma_wait3A_96 = tpu.memref_squeeze %dma_wait3A_95 : memref<1x1x4096xf32, #tpu.memory_space<hbm>> -> memref<4096xf32, #tpu.memory_space<hbm>>
    tpu.wait_dma2 semaphore(%arg17 : memref<!tpu.dma_semaphore, #tpu.memory_space<semaphore_mem>>) src(%arg11 : memref<4096xf32, #tpu.memory_space<vmem>>) dst(%dma_wait3A_96 : memref<4096xf32, #tpu.memory_space<hbm>>)
    %mul3A_97 = arith.constant 2 : i32
    %mul3A_98 = arith.muli %add3A, %mul3A_97 : i32
    %add3A_99 = arith.constant 1 : i32
    %add3A_100 = arith.addi %mul3A_98, %add3A_99 : i32
    "tpu.region"() ({
      %run_scoped3A = tpu.sem_alloc : memref<!tpu.dma_semaphore, #tpu.memory_space<semaphore_mem>>
      %dma_start3A_197 = arith.constant 0 : i32
      %dma_start3A_198 = tpu.memref_slice %arg3[%add3A_100, %dma_start3A_197] : memref<64x100000xf32, #tpu.memory_space<hbm>> -> memref<1x100000xf32, #tpu.memory_space<hbm>>
      %dma_start3A_199 = tpu.memref_squeeze %dma_start3A_198 : memref<1x100000xf32, #tpu.memory_space<hbm>> -> memref<100000xf32, #tpu.memory_space<hbm>>
      %dma_start3A_200 = arith.constant 0 : i32
      %dma_start3A_201 = tpu.memref_slice %arg3[%add3A_100, %dma_start3A_200] : memref<64x100000xf32, #tpu.memory_space<hbm>> -> memref<1x100000xf32, #tpu.memory_space<hbm>>
      %dma_start3A_202 = tpu.memref_squeeze %dma_start3A_201 : memref<1x100000xf32, #tpu.memory_space<hbm>> -> memref<100000xf32, #tpu.memory_space<hbm>>
      tpu.enqueue_dma source(%dma_start3A_202 : memref<100000xf32, #tpu.memory_space<hbm>>) target(%arg5 : memref<100000xf32, #tpu.memory_space<vmem>>) target_semaphore(%run_scoped3A : memref<!tpu.dma_semaphore, #tpu.memory_space<semaphore_mem>>)
      %dma_wait3A_203 = arith.constant 0 : i32
      %dma_wait3A_204 = tpu.memref_slice %arg3[%add3A_100, %dma_wait3A_203] : memref<64x100000xf32, #tpu.memory_space<hbm>> -> memref<1x100000xf32, #tpu.memory_space<hbm>>
      %dma_wait3A_205 = tpu.memref_squeeze %dma_wait3A_204 : memref<1x100000xf32, #tpu.memory_space<hbm>> -> memref<100000xf32, #tpu.memory_space<hbm>>
      %dma_wait3A_206 = arith.constant 0 : i32
      %dma_wait3A_207 = tpu.memref_slice %arg3[%add3A_100, %dma_wait3A_206] : memref<64x100000xf32, #tpu.memory_space<hbm>> -> memref<1x100000xf32, #tpu.memory_space<hbm>>
      %dma_wait3A_208 = tpu.memref_squeeze %dma_wait3A_207 : memref<1x100000xf32, #tpu.memory_space<hbm>> -> memref<100000xf32, #tpu.memory_space<hbm>>
      tpu.wait_dma2 semaphore(%run_scoped3A : memref<!tpu.dma_semaphore, #tpu.memory_space<semaphore_mem>>) src(%dma_wait3A_208 : memref<100000xf32, #tpu.memory_space<hbm>>) dst(%arg5 : memref<100000xf32, #tpu.memory_space<vmem>>)
      tpu.yield
    }) : () -> ()
    %dma_start3A_101 = arith.constant 0 : i32
    %dma_start3A_102 = arith.constant 0 : i32
    %dma_start3A_103 = tpu.memref_slice %arg2[%dma_start3A_101, %dma_start3A_102] : memref<50x4096xi32, #tpu.memory_space<hbm>> -> memref<1x4096xi32, #tpu.memory_space<hbm>>
    %dma_start3A_104 = tpu.memref_squeeze %dma_start3A_103 : memref<1x4096xi32, #tpu.memory_space<hbm>> -> memref<4096xi32, #tpu.memory_space<hbm>>
    %dma_start3A_105 = arith.constant 0 : i32
    %dma_start3A_106 = tpu.memref_slice %arg2[%dma_start3A_101, %dma_start3A_105] : memref<50x4096xi32, #tpu.memory_space<hbm>> -> memref<1x4096xi32, #tpu.memory_space<hbm>>
    %dma_start3A_107 = tpu.memref_squeeze %dma_start3A_106 : memref<1x4096xi32, #tpu.memory_space<hbm>> -> memref<4096xi32, #tpu.memory_space<hbm>>
    tpu.enqueue_dma source(%dma_start3A_107 : memref<4096xi32, #tpu.memory_space<hbm>>) target(%arg6 : memref<4096xi32, #tpu.memory_space<vmem>>) target_semaphore(%arg12 : memref<!tpu.dma_semaphore, #tpu.memory_space<semaphore_mem>>)
    %dma_start3A_108 = arith.constant 1 : i32
    %dma_start3A_109 = arith.constant 0 : i32
    %dma_start3A_110 = tpu.memref_slice %arg2[%dma_start3A_108, %dma_start3A_109] : memref<50x4096xi32, #tpu.memory_space<hbm>> -> memref<1x4096xi32, #tpu.memory_space<hbm>>
    %dma_start3A_111 = tpu.memref_squeeze %dma_start3A_110 : memref<1x4096xi32, #tpu.memory_space<hbm>> -> memref<4096xi32, #tpu.memory_space<hbm>>
    %dma_start3A_112 = arith.constant 0 : i32
    %dma_start3A_113 = tpu.memref_slice %arg2[%dma_start3A_108, %dma_start3A_112] : memref<50x4096xi32, #tpu.memory_space<hbm>> -> memref<1x4096xi32, #tpu.memory_space<hbm>>
    %dma_start3A_114 = tpu.memref_squeeze %dma_start3A_113 : memref<1x4096xi32, #tpu.memory_space<hbm>> -> memref<4096xi32, #tpu.memory_space<hbm>>
    tpu.enqueue_dma source(%dma_start3A_114 : memref<4096xi32, #tpu.memory_space<hbm>>) target(%arg7 : memref<4096xi32, #tpu.memory_space<vmem>>) target_semaphore(%arg13 : memref<!tpu.dma_semaphore, #tpu.memory_space<semaphore_mem>>)
    %dma_start3A_115 = arith.constant 2 : i32
    %dma_start3A_116 = arith.constant 0 : i32
    %dma_start3A_117 = tpu.memref_slice %arg2[%dma_start3A_115, %dma_start3A_116] : memref<50x4096xi32, #tpu.memory_space<hbm>> -> memref<1x4096xi32, #tpu.memory_space<hbm>>
    %dma_start3A_118 = tpu.memref_squeeze %dma_start3A_117 : memref<1x4096xi32, #tpu.memory_space<hbm>> -> memref<4096xi32, #tpu.memory_space<hbm>>
    %dma_start3A_119 = arith.constant 0 : i32
    %dma_start3A_120 = tpu.memref_slice %arg2[%dma_start3A_115, %dma_start3A_119] : memref<50x4096xi32, #tpu.memory_space<hbm>> -> memref<1x4096xi32, #tpu.memory_space<hbm>>
    %dma_start3A_121 = tpu.memref_squeeze %dma_start3A_120 : memref<1x4096xi32, #tpu.memory_space<hbm>> -> memref<4096xi32, #tpu.memory_space<hbm>>
    tpu.enqueue_dma source(%dma_start3A_121 : memref<4096xi32, #tpu.memory_space<hbm>>) target(%arg8 : memref<4096xi32, #tpu.memory_space<vmem>>) target_semaphore(%arg14 : memref<!tpu.dma_semaphore, #tpu.memory_space<semaphore_mem>>)
    %dma_start3A_122 = arith.constant 3 : i32
    %dma_start3A_123 = arith.constant 0 : i32
    %dma_start3A_124 = tpu.memref_slice %arg2[%dma_start3A_122, %dma_start3A_123] : memref<50x4096xi32, #tpu.memory_space<hbm>> -> memref<1x4096xi32, #tpu.memory_space<hbm>>
    %dma_start3A_125 = tpu.memref_squeeze %dma_start3A_124 : memref<1x4096xi32, #tpu.memory_space<hbm>> -> memref<4096xi32, #tpu.memory_space<hbm>>
    %dma_start3A_126 = arith.constant 0 : i32
    %dma_start3A_127 = tpu.memref_slice %arg2[%dma_start3A_122, %dma_start3A_126] : memref<50x4096xi32, #tpu.memory_space<hbm>> -> memref<1x4096xi32, #tpu.memory_space<hbm>>
    %dma_start3A_128 = tpu.memref_squeeze %dma_start3A_127 : memref<1x4096xi32, #tpu.memory_space<hbm>> -> memref<4096xi32, #tpu.memory_space<hbm>>
    tpu.enqueue_dma source(%dma_start3A_128 : memref<4096xi32, #tpu.memory_space<hbm>>) target(%arg9 : memref<4096xi32, #tpu.memory_space<vmem>>) target_semaphore(%arg15 : memref<!tpu.dma_semaphore, #tpu.memory_space<semaphore_mem>>)
    %scan3A_129 = arith.constant 0 : i32
    %scan3A_130 = arith.constant 0 : i32
    %scan3A_131 = arith.constant 12 : i32
    %scan3A_132 = arith.addi %scan3A_130, %scan3A_131 : i32
    %scan3A_133 = arith.constant 1 : i32
    scf.for %scan3A_197 = %scan3A_130 to %scan3A_132 step %scan3A_133  : i32 {
      %mul3A_198 = arith.constant 4 : i32
      %mul3A_199 = arith.muli %mul3A_198, %scan3A_197 : i32
      %add3A_200 = arith.constant 0 : i32
      %add3A_201 = arith.addi %mul3A_199, %add3A_200 : i32
      %gt3A = arith.constant 0 : i32
      %gt3A_202 = arith.cmpi sgt, %scan3A_197, %gt3A : i32
      %convert_element_type3A = arith.extui %gt3A_202 : i1 to i32
      %cond3A = arith.constant 0 : i32
      %cond3A_203 = arith.cmpi ne, %convert_element_type3A, %cond3A : i32
      scf.if %cond3A_203 {
        %dma_wait3A_320 = arith.constant 0 : i32
        %dma_wait3A_321 = tpu.memref_slice %arg4[%add3A_201, %add3A_100, %dma_wait3A_320] : memref<50x64x4096xf32, #tpu.memory_space<hbm>> -> memref<1x1x4096xf32, #tpu.memory_space<hbm>>
        %dma_wait3A_322 = tpu.memref_squeeze %dma_wait3A_321 : memref<1x1x4096xf32, #tpu.memory_space<hbm>> -> memref<4096xf32, #tpu.memory_space<hbm>>
        %dma_wait3A_323 = arith.constant 0 : i32
        %dma_wait3A_324 = tpu.memref_slice %arg4[%add3A_201, %add3A_100, %dma_wait3A_323] : memref<50x64x4096xf32, #tpu.memory_space<hbm>> -> memref<1x1x4096xf32, #tpu.memory_space<hbm>>
        %dma_wait3A_325 = tpu.memref_squeeze %dma_wait3A_324 : memref<1x1x4096xf32, #tpu.memory_space<hbm>> -> memref<4096xf32, #tpu.memory_space<hbm>>
        tpu.wait_dma2 semaphore(%arg16 : memref<!tpu.dma_semaphore, #tpu.memory_space<semaphore_mem>>) src(%arg10 : memref<4096xf32, #tpu.memory_space<vmem>>) dst(%dma_wait3A_325 : memref<4096xf32, #tpu.memory_space<hbm>>)
      } else {
      }
      %dma_wait3A_204 = arith.constant 0 : i32
      %dma_wait3A_205 = tpu.memref_slice %arg2[%add3A_201, %dma_wait3A_204] : memref<50x4096xi32, #tpu.memory_space<hbm>> -> memref<1x4096xi32, #tpu.memory_space<hbm>>
      %dma_wait3A_206 = tpu.memref_squeeze %dma_wait3A_205 : memref<1x4096xi32, #tpu.memory_space<hbm>> -> memref<4096xi32, #tpu.memory_space<hbm>>
      %dma_wait3A_207 = arith.constant 0 : i32
      %dma_wait3A_208 = tpu.memref_slice %arg2[%add3A_201, %dma_wait3A_207] : memref<50x4096xi32, #tpu.memory_space<hbm>> -> memref<1x4096xi32, #tpu.memory_space<hbm>>
      %dma_wait3A_209 = tpu.memref_squeeze %dma_wait3A_208 : memref<1x4096xi32, #tpu.memory_space<hbm>> -> memref<4096xi32, #tpu.memory_space<hbm>>
      tpu.wait_dma2 semaphore(%arg12 : memref<!tpu.dma_semaphore, #tpu.memory_space<semaphore_mem>>) src(%dma_wait3A_209 : memref<4096xi32, #tpu.memory_space<hbm>>) dst(%arg6 : memref<4096xi32, #tpu.memory_space<vmem>>)
      %parallel_loop3A_210 = arith.constant 0 : i32
      %parallel_loop3A_211 = arith.constant 256 : i32
      %parallel_loop3A_212 = arith.constant 1 : i32
      scf.for %parallel_loop3A_320 = %parallel_loop3A_210 to %parallel_loop3A_211 step %parallel_loop3A_212  : i32 {
        %parallel_loop3A_321 = arith.constant 16 : i32
        %parallel_loop3A_322 = arith.muli %parallel_loop3A_320, %parallel_loop3A_321 : i32
        %parallel_loop3A_323 = arith.index_cast %parallel_loop3A_322 : i32 to index
        %parallel_loop3A_324 = tpu.vector_load %arg6[%parallel_loop3A_323] {strides = array<i32>} : memref<4096xi32, #tpu.memory_space<vmem>>, vector<16xi32>,
        %parallel_loop3A_325 = tpu.vector_load_idx %arg5[%parallel_loop3A_324] : memref<100000xf32, #tpu.memory_space<vmem>>[vector<16xi32>], vector<16xf32>,
        %parallel_loop3A_326 = arith.constant 16 : i32
        %parallel_loop3A_327 = arith.muli %parallel_loop3A_320, %parallel_loop3A_326 : i32
        %parallel_loop3A_328 = arith.index_cast %parallel_loop3A_327 : i32 to index
        %parallel_loop3A_329 = tpu.vector_load %arg10[%parallel_loop3A_328] {strides = array<i32>} : memref<4096xf32, #tpu.memory_space<vmem>>, vector<16xf32>,
        tpu.vector_store %arg10[%parallel_loop3A_328], %parallel_loop3A_325 {strides = array<i32>} : memref<4096xf32, #tpu.memory_space<vmem>>, vector<16xf32>,
      } {sc.loop_unroll_factor = 8 : i64, sc.parallel_access}
      %dma_start3A_213 = arith.constant 0 : i32
      %dma_start3A_214 = tpu.memref_slice %arg4[%add3A_201, %add3A_100, %dma_start3A_213] : memref<50x64x4096xf32, #tpu.memory_space<hbm>> -> memref<1x1x4096xf32, #tpu.memory_space<hbm>>
      %dma_start3A_215 = tpu.memref_squeeze %dma_start3A_214 : memref<1x1x4096xf32, #tpu.memory_space<hbm>> -> memref<4096xf32, #tpu.memory_space<hbm>>
      %dma_start3A_216 = arith.constant 0 : i32
      %dma_start3A_217 = tpu.memref_slice %arg4[%add3A_201, %add3A_100, %dma_start3A_216] : memref<50x64x4096xf32, #tpu.memory_space<hbm>> -> memref<1x1x4096xf32, #tpu.memory_space<hbm>>
      %dma_start3A_218 = tpu.memref_squeeze %dma_start3A_217 : memref<1x1x4096xf32, #tpu.memory_space<hbm>> -> memref<4096xf32, #tpu.memory_space<hbm>>
      tpu.enqueue_dma source(%arg10 : memref<4096xf32, #tpu.memory_space<vmem>>) target(%dma_start3A_218 : memref<4096xf32, #tpu.memory_space<hbm>>) target_semaphore(%arg16 : memref<!tpu.dma_semaphore, #tpu.memory_space<semaphore_mem>>)
      %add3A_219 = arith.constant 4 : i32
      %add3A_220 = arith.addi %add3A_201, %add3A_219 : i32
      %lt3A = arith.constant 50 : i32
      %lt3A_221 = arith.cmpi slt, %add3A_220, %lt3A : i32
      %convert_element_type3A_222 = arith.extui %lt3A_221 : i1 to i32
      %cond3A_223 = arith.constant 0 : i32
      %cond3A_224 = arith.cmpi ne, %convert_element_type3A_222, %cond3A_223 : i32
      scf.if %cond3A_224 {
        %dma_start3A_320 = arith.constant 0 : i32
        %dma_start3A_321 = tpu.memref_slice %arg2[%add3A_220, %dma_start3A_320] : memref<50x4096xi32, #tpu.memory_space<hbm>> -> memref<1x4096xi32, #tpu.memory_space<hbm>>
        %dma_start3A_322 = tpu.memref_squeeze %dma_start3A_321 : memref<1x4096xi32, #tpu.memory_space<hbm>> -> memref<4096xi32, #tpu.memory_space<hbm>>
        %dma_start3A_323 = arith.constant 0 : i32
        %dma_start3A_324 = tpu.memref_slice %arg2[%add3A_220, %dma_start3A_323] : memref<50x4096xi32, #tpu.memory_space<hbm>> -> memref<1x4096xi32, #tpu.memory_space<hbm>>
        %dma_start3A_325 = tpu.memref_squeeze %dma_start3A_324 : memref<1x4096xi32, #tpu.memory_space<hbm>> -> memref<4096xi32, #tpu.memory_space<hbm>>
        tpu.enqueue_dma source(%dma_start3A_325 : memref<4096xi32, #tpu.memory_space<hbm>>) target(%arg6 : memref<4096xi32, #tpu.memory_space<vmem>>) target_semaphore(%arg12 : memref<!tpu.dma_semaphore, #tpu.memory_space<semaphore_mem>>)
      } else {
      }
      %mul3A_225 = arith.constant 4 : i32
      %mul3A_226 = arith.muli %mul3A_225, %scan3A_197 : i32
      %add3A_227 = arith.constant 1 : i32
      %add3A_228 = arith.addi %mul3A_226, %add3A_227 : i32
      %gt3A_229 = arith.constant 0 : i32
      %gt3A_230 = arith.cmpi sgt, %scan3A_197, %gt3A_229 : i32
      %convert_element_type3A_231 = arith.extui %gt3A_230 : i1 to i32
      %cond3A_232 = arith.constant 0 : i32
      %cond3A_233 = arith.cmpi ne, %convert_element_type3A_231, %cond3A_232 : i32
      scf.if %cond3A_233 {
        %dma_wait3A_320 = arith.constant 0 : i32
        %dma_wait3A_321 = tpu.memref_slice %arg4[%add3A_228, %add3A_100, %dma_wait3A_320] : memref<50x64x4096xf32, #tpu.memory_space<hbm>> -> memref<1x1x4096xf32, #tpu.memory_space<hbm>>
        %dma_wait3A_322 = tpu.memref_squeeze %dma_wait3A_321 : memref<1x1x4096xf32, #tpu.memory_space<hbm>> -> memref<4096xf32, #tpu.memory_space<hbm>>
        %dma_wait3A_323 = arith.constant 0 : i32
        %dma_wait3A_324 = tpu.memref_slice %arg4[%add3A_228, %add3A_100, %dma_wait3A_323] : memref<50x64x4096xf32, #tpu.memory_space<hbm>> -> memref<1x1x4096xf32, #tpu.memory_space<hbm>>
        %dma_wait3A_325 = tpu.memref_squeeze %dma_wait3A_324 : memref<1x1x4096xf32, #tpu.memory_space<hbm>> -> memref<4096xf32, #tpu.memory_space<hbm>>
        tpu.wait_dma2 semaphore(%arg17 : memref<!tpu.dma_semaphore, #tpu.memory_space<semaphore_mem>>) src(%arg11 : memref<4096xf32, #tpu.memory_space<vmem>>) dst(%dma_wait3A_325 : memref<4096xf32, #tpu.memory_space<hbm>>)
      } else {
      }
      %dma_wait3A_234 = arith.constant 0 : i32
      %dma_wait3A_235 = tpu.memref_slice %arg2[%add3A_228, %dma_wait3A_234] : memref<50x4096xi32, #tpu.memory_space<hbm>> -> memref<1x4096xi32, #tpu.memory_space<hbm>>
      %dma_wait3A_236 = tpu.memref_squeeze %dma_wait3A_235 : memref<1x4096xi32, #tpu.memory_space<hbm>> -> memref<4096xi32, #tpu.memory_space<hbm>>
      %dma_wait3A_237 = arith.constant 0 : i32
      %dma_wait3A_238 = tpu.memref_slice %arg2[%add3A_228, %dma_wait3A_237] : memref<50x4096xi32, #tpu.memory_space<hbm>> -> memref<1x4096xi32, #tpu.memory_space<hbm>>
      %dma_wait3A_239 = tpu.memref_squeeze %dma_wait3A_238 : memref<1x4096xi32, #tpu.memory_space<hbm>> -> memref<4096xi32, #tpu.memory_space<hbm>>
      tpu.wait_dma2 semaphore(%arg13 : memref<!tpu.dma_semaphore, #tpu.memory_space<semaphore_mem>>) src(%dma_wait3A_239 : memref<4096xi32, #tpu.memory_space<hbm>>) dst(%arg7 : memref<4096xi32, #tpu.memory_space<vmem>>)
      %parallel_loop3A_240 = arith.constant 0 : i32
      %parallel_loop3A_241 = arith.constant 256 : i32
      %parallel_loop3A_242 = arith.constant 1 : i32
      scf.for %parallel_loop3A_320 = %parallel_loop3A_240 to %parallel_loop3A_241 step %parallel_loop3A_242  : i32 {
        %parallel_loop3A_321 = arith.constant 16 : i32
        %parallel_loop3A_322 = arith.muli %parallel_loop3A_320, %parallel_loop3A_321 : i32
        %parallel_loop3A_323 = arith.index_cast %parallel_loop3A_322 : i32 to index
        %parallel_loop3A_324 = tpu.vector_load %arg7[%parallel_loop3A_323] {strides = array<i32>} : memref<4096xi32, #tpu.memory_space<vmem>>, vector<16xi32>,
        %parallel_loop3A_325 = tpu.vector_load_idx %arg5[%parallel_loop3A_324] : memref<100000xf32, #tpu.memory_space<vmem>>[vector<16xi32>], vector<16xf32>,
        %parallel_loop3A_326 = arith.constant 16 : i32
        %parallel_loop3A_327 = arith.muli %parallel_loop3A_320, %parallel_loop3A_326 : i32
        %parallel_loop3A_328 = arith.index_cast %parallel_loop3A_327 : i32 to index
        %parallel_loop3A_329 = tpu.vector_load %arg11[%parallel_loop3A_328] {strides = array<i32>} : memref<4096xf32, #tpu.memory_space<vmem>>, vector<16xf32>,
        tpu.vector_store %arg11[%parallel_loop3A_328], %parallel_loop3A_325 {strides = array<i32>} : memref<4096xf32, #tpu.memory_space<vmem>>, vector<16xf32>,
      } {sc.loop_unroll_factor = 8 : i64, sc.parallel_access}
      %dma_start3A_243 = arith.constant 0 : i32
      %dma_start3A_244 = tpu.memref_slice %arg4[%add3A_228, %add3A_100, %dma_start3A_243] : memref<50x64x4096xf32, #tpu.memory_space<hbm>> -> memref<1x1x4096xf32, #tpu.memory_space<hbm>>
      %dma_start3A_245 = tpu.memref_squeeze %dma_start3A_244 : memref<1x1x4096xf32, #tpu.memory_space<hbm>> -> memref<4096xf32, #tpu.memory_space<hbm>>
      %dma_start3A_246 = arith.constant 0 : i32
      %dma_start3A_247 = tpu.memref_slice %arg4[%add3A_228, %add3A_100, %dma_start3A_246] : memref<50x64x4096xf32, #tpu.memory_space<hbm>> -> memref<1x1x4096xf32, #tpu.memory_space<hbm>>
      %dma_start3A_248 = tpu.memref_squeeze %dma_start3A_247 : memref<1x1x4096xf32, #tpu.memory_space<hbm>> -> memref<4096xf32, #tpu.memory_space<hbm>>
      tpu.enqueue_dma source(%arg11 : memref<4096xf32, #tpu.memory_space<vmem>>) target(%dma_start3A_248 : memref<4096xf32, #tpu.memory_space<hbm>>) target_semaphore(%arg17 : memref<!tpu.dma_semaphore, #tpu.memory_space<semaphore_mem>>)
      %add3A_249 = arith.constant 4 : i32
      %add3A_250 = arith.addi %add3A_228, %add3A_249 : i32
      %lt3A_251 = arith.constant 50 : i32
      %lt3A_252 = arith.cmpi slt, %add3A_250, %lt3A_251 : i32
      %convert_element_type3A_253 = arith.extui %lt3A_252 : i1 to i32
      %cond3A_254 = arith.constant 0 : i32
      %cond3A_255 = arith.cmpi ne, %convert_element_type3A_253, %cond3A_254 : i32
      scf.if %cond3A_255 {
        %dma_start3A_320 = arith.constant 0 : i32
        %dma_start3A_321 = tpu.memref_slice %arg2[%add3A_250, %dma_start3A_320] : memref<50x4096xi32, #tpu.memory_space<hbm>> -> memref<1x4096xi32, #tpu.memory_space<hbm>>
        %dma_start3A_322 = tpu.memref_squeeze %dma_start3A_321 : memref<1x4096xi32, #tpu.memory_space<hbm>> -> memref<4096xi32, #tpu.memory_space<hbm>>
        %dma_start3A_323 = arith.constant 0 : i32
        %dma_start3A_324 = tpu.memref_slice %arg2[%add3A_250, %dma_start3A_323] : memref<50x4096xi32, #tpu.memory_space<hbm>> -> memref<1x4096xi32, #tpu.memory_space<hbm>>
        %dma_start3A_325 = tpu.memref_squeeze %dma_start3A_324 : memref<1x4096xi32, #tpu.memory_space<hbm>> -> memref<4096xi32, #tpu.memory_space<hbm>>
        tpu.enqueue_dma source(%dma_start3A_325 : memref<4096xi32, #tpu.memory_space<hbm>>) target(%arg7 : memref<4096xi32, #tpu.memory_space<vmem>>) target_semaphore(%arg13 : memref<!tpu.dma_semaphore, #tpu.memory_space<semaphore_mem>>)
      } else {
      }
      %mul3A_256 = arith.constant 4 : i32
      %mul3A_257 = arith.muli %mul3A_256, %scan3A_197 : i32
      %add3A_258 = arith.constant 2 : i32
      %add3A_259 = arith.addi %mul3A_257, %add3A_258 : i32
      %dma_wait3A_260 = arith.constant 0 : i32
      %dma_wait3A_261 = tpu.memref_slice %arg4[%add3A_259, %add3A_100, %dma_wait3A_260] : memref<50x64x4096xf32, #tpu.memory_space<hbm>> -> memref<1x1x4096xf32, #tpu.memory_space<hbm>>
      %dma_wait3A_262 = tpu.memref_squeeze %dma_wait3A_261 : memref<1x1x4096xf32, #tpu.memory_space<hbm>> -> memref<4096xf32, #tpu.memory_space<hbm>>
      %dma_wait3A_263 = arith.constant 0 : i32
      %dma_wait3A_264 = tpu.memref_slice %arg4[%add3A_259, %add3A_100, %dma_wait3A_263] : memref<50x64x4096xf32, #tpu.memory_space<hbm>> -> memref<1x1x4096xf32, #tpu.memory_space<hbm>>
      %dma_wait3A_265 = tpu.memref_squeeze %dma_wait3A_264 : memref<1x1x4096xf32, #tpu.memory_space<hbm>> -> memref<4096xf32, #tpu.memory_space<hbm>>
      tpu.wait_dma2 semaphore(%arg16 : memref<!tpu.dma_semaphore, #tpu.memory_space<semaphore_mem>>) src(%arg10 : memref<4096xf32, #tpu.memory_space<vmem>>) dst(%dma_wait3A_265 : memref<4096xf32, #tpu.memory_space<hbm>>)
      %dma_wait3A_266 = arith.constant 0 : i32
      %dma_wait3A_267 = tpu.memref_slice %arg2[%add3A_259, %dma_wait3A_266] : memref<50x4096xi32, #tpu.memory_space<hbm>> -> memref<1x4096xi32, #tpu.memory_space<hbm>>
      %dma_wait3A_268 = tpu.memref_squeeze %dma_wait3A_267 : memref<1x4096xi32, #tpu.memory_space<hbm>> -> memref<4096xi32, #tpu.memory_space<hbm>>
      %dma_wait3A_269 = arith.constant 0 : i32
      %dma_wait3A_270 = tpu.memref_slice %arg2[%add3A_259, %dma_wait3A_269] : memref<50x4096xi32, #tpu.memory_space<hbm>> -> memref<1x4096xi32, #tpu.memory_space<hbm>>
      %dma_wait3A_271 = tpu.memref_squeeze %dma_wait3A_270 : memref<1x4096xi32, #tpu.memory_space<hbm>> -> memref<4096xi32, #tpu.memory_space<hbm>>
      tpu.wait_dma2 semaphore(%arg14 : memref<!tpu.dma_semaphore, #tpu.memory_space<semaphore_mem>>) src(%dma_wait3A_271 : memref<4096xi32, #tpu.memory_space<hbm>>) dst(%arg8 : memref<4096xi32, #tpu.memory_space<vmem>>)
      %parallel_loop3A_272 = arith.constant 0 : i32
      %parallel_loop3A_273 = arith.constant 256 : i32
      %parallel_loop3A_274 = arith.constant 1 : i32
      scf.for %parallel_loop3A_320 = %parallel_loop3A_272 to %parallel_loop3A_273 step %parallel_loop3A_274  : i32 {
        %parallel_loop3A_321 = arith.constant 16 : i32
        %parallel_loop3A_322 = arith.muli %parallel_loop3A_320, %parallel_loop3A_321 : i32
        %parallel_loop3A_323 = arith.index_cast %parallel_loop3A_322 : i32 to index
        %parallel_loop3A_324 = tpu.vector_load %arg8[%parallel_loop3A_323] {strides = array<i32>} : memref<4096xi32, #tpu.memory_space<vmem>>, vector<16xi32>,
        %parallel_loop3A_325 = tpu.vector_load_idx %arg5[%parallel_loop3A_324] : memref<100000xf32, #tpu.memory_space<vmem>>[vector<16xi32>], vector<16xf32>,
        %parallel_loop3A_326 = arith.constant 16 : i32
        %parallel_loop3A_327 = arith.muli %parallel_loop3A_320, %parallel_loop3A_326 : i32
        %parallel_loop3A_328 = arith.index_cast %parallel_loop3A_327 : i32 to index
        %parallel_loop3A_329 = tpu.vector_load %arg10[%parallel_loop3A_328] {strides = array<i32>} : memref<4096xf32, #tpu.memory_space<vmem>>, vector<16xf32>,
        tpu.vector_store %arg10[%parallel_loop3A_328], %parallel_loop3A_325 {strides = array<i32>} : memref<4096xf32, #tpu.memory_space<vmem>>, vector<16xf32>,
      } {sc.loop_unroll_factor = 8 : i64, sc.parallel_access}
      %dma_start3A_275 = arith.constant 0 : i32
      %dma_start3A_276 = tpu.memref_slice %arg4[%add3A_259, %add3A_100, %dma_start3A_275] : memref<50x64x4096xf32, #tpu.memory_space<hbm>> -> memref<1x1x4096xf32, #tpu.memory_space<hbm>>
      %dma_start3A_277 = tpu.memref_squeeze %dma_start3A_276 : memref<1x1x4096xf32, #tpu.memory_space<hbm>> -> memref<4096xf32, #tpu.memory_space<hbm>>
      %dma_start3A_278 = arith.constant 0 : i32
      %dma_start3A_279 = tpu.memref_slice %arg4[%add3A_259, %add3A_100, %dma_start3A_278] : memref<50x64x4096xf32, #tpu.memory_space<hbm>> -> memref<1x1x4096xf32, #tpu.memory_space<hbm>>
      %dma_start3A_280 = tpu.memref_squeeze %dma_start3A_279 : memref<1x1x4096xf32, #tpu.memory_space<hbm>> -> memref<4096xf32, #tpu.memory_space<hbm>>
      tpu.enqueue_dma source(%arg10 : memref<4096xf32, #tpu.memory_space<vmem>>) target(%dma_start3A_280 : memref<4096xf32, #tpu.memory_space<hbm>>) target_semaphore(%arg16 : memref<!tpu.dma_semaphore, #tpu.memory_space<semaphore_mem>>)
      %add3A_281 = arith.constant 4 : i32
      %add3A_282 = arith.addi %add3A_259, %add3A_281 : i32
      %lt3A_283 = arith.constant 50 : i32
      %lt3A_284 = arith.cmpi slt, %add3A_282, %lt3A_283 : i32
      %convert_element_type3A_285 = arith.extui %lt3A_284 : i1 to i32
      %cond3A_286 = arith.constant 0 : i32
      %cond3A_287 = arith.cmpi ne, %convert_element_type3A_285, %cond3A_286 : i32
      scf.if %cond3A_287 {
        %dma_start3A_320 = arith.constant 0 : i32
        %dma_start3A_321 = tpu.memref_slice %arg2[%add3A_282, %dma_start3A_320] : memref<50x4096xi32, #tpu.memory_space<hbm>> -> memref<1x4096xi32, #tpu.memory_space<hbm>>
        %dma_start3A_322 = tpu.memref_squeeze %dma_start3A_321 : memref<1x4096xi32, #tpu.memory_space<hbm>> -> memref<4096xi32, #tpu.memory_space<hbm>>
        %dma_start3A_323 = arith.constant 0 : i32
        %dma_start3A_324 = tpu.memref_slice %arg2[%add3A_282, %dma_start3A_323] : memref<50x4096xi32, #tpu.memory_space<hbm>> -> memref<1x4096xi32, #tpu.memory_space<hbm>>
        %dma_start3A_325 = tpu.memref_squeeze %dma_start3A_324 : memref<1x4096xi32, #tpu.memory_space<hbm>> -> memref<4096xi32, #tpu.memory_space<hbm>>
        tpu.enqueue_dma source(%dma_start3A_325 : memref<4096xi32, #tpu.memory_space<hbm>>) target(%arg8 : memref<4096xi32, #tpu.memory_space<vmem>>) target_semaphore(%arg14 : memref<!tpu.dma_semaphore, #tpu.memory_space<semaphore_mem>>)
      } else {
      }
      %mul3A_288 = arith.constant 4 : i32
      %mul3A_289 = arith.muli %mul3A_288, %scan3A_197 : i32
      %add3A_290 = arith.constant 3 : i32
      %add3A_291 = arith.addi %mul3A_289, %add3A_290 : i32
      %dma_wait3A_292 = arith.constant 0 : i32
      %dma_wait3A_293 = tpu.memref_slice %arg4[%add3A_291, %add3A_100, %dma_wait3A_292] : memref<50x64x4096xf32, #tpu.memory_space<hbm>> -> memref<1x1x4096xf32, #tpu.memory_space<hbm>>
      %dma_wait3A_294 = tpu.memref_squeeze %dma_wait3A_293 : memref<1x1x4096xf32, #tpu.memory_space<hbm>> -> memref<4096xf32, #tpu.memory_space<hbm>>
      %dma_wait3A_295 = arith.constant 0 : i32
      %dma_wait3A_296 = tpu.memref_slice %arg4[%add3A_291, %add3A_100, %dma_wait3A_295] : memref<50x64x4096xf32, #tpu.memory_space<hbm>> -> memref<1x1x4096xf32, #tpu.memory_space<hbm>>
      %dma_wait3A_297 = tpu.memref_squeeze %dma_wait3A_296 : memref<1x1x4096xf32, #tpu.memory_space<hbm>> -> memref<4096xf32, #tpu.memory_space<hbm>>
      tpu.wait_dma2 semaphore(%arg17 : memref<!tpu.dma_semaphore, #tpu.memory_space<semaphore_mem>>) src(%arg11 : memref<4096xf32, #tpu.memory_space<vmem>>) dst(%dma_wait3A_297 : memref<4096xf32, #tpu.memory_space<hbm>>)
      %dma_wait3A_298 = arith.constant 0 : i32
      %dma_wait3A_299 = tpu.memref_slice %arg2[%add3A_291, %dma_wait3A_298] : memref<50x4096xi32, #tpu.memory_space<hbm>> -> memref<1x4096xi32, #tpu.memory_space<hbm>>
      %dma_wait3A_300 = tpu.memref_squeeze %dma_wait3A_299 : memref<1x4096xi32, #tpu.memory_space<hbm>> -> memref<4096xi32, #tpu.memory_space<hbm>>
      %dma_wait3A_301 = arith.constant 0 : i32
      %dma_wait3A_302 = tpu.memref_slice %arg2[%add3A_291, %dma_wait3A_301] : memref<50x4096xi32, #tpu.memory_space<hbm>> -> memref<1x4096xi32, #tpu.memory_space<hbm>>
      %dma_wait3A_303 = tpu.memref_squeeze %dma_wait3A_302 : memref<1x4096xi32, #tpu.memory_space<hbm>> -> memref<4096xi32, #tpu.memory_space<hbm>>
      tpu.wait_dma2 semaphore(%arg15 : memref<!tpu.dma_semaphore, #tpu.memory_space<semaphore_mem>>) src(%dma_wait3A_303 : memref<4096xi32, #tpu.memory_space<hbm>>) dst(%arg9 : memref<4096xi32, #tpu.memory_space<vmem>>)
      %parallel_loop3A_304 = arith.constant 0 : i32
      %parallel_loop3A_305 = arith.constant 256 : i32
      %parallel_loop3A_306 = arith.constant 1 : i32
      scf.for %parallel_loop3A_320 = %parallel_loop3A_304 to %parallel_loop3A_305 step %parallel_loop3A_306  : i32 {
        %parallel_loop3A_321 = arith.constant 16 : i32
        %parallel_loop3A_322 = arith.muli %parallel_loop3A_320, %parallel_loop3A_321 : i32
        %parallel_loop3A_323 = arith.index_cast %parallel_loop3A_322 : i32 to index
        %parallel_loop3A_324 = tpu.vector_load %arg9[%parallel_loop3A_323] {strides = array<i32>} : memref<4096xi32, #tpu.memory_space<vmem>>, vector<16xi32>,
        %parallel_loop3A_325 = tpu.vector_load_idx %arg5[%parallel_loop3A_324] : memref<100000xf32, #tpu.memory_space<vmem>>[vector<16xi32>], vector<16xf32>,
        %parallel_loop3A_326 = arith.constant 16 : i32
        %parallel_loop3A_327 = arith.muli %parallel_loop3A_320, %parallel_loop3A_326 : i32
        %parallel_loop3A_328 = arith.index_cast %parallel_loop3A_327 : i32 to index
        %parallel_loop3A_329 = tpu.vector_load %arg11[%parallel_loop3A_328] {strides = array<i32>} : memref<4096xf32, #tpu.memory_space<vmem>>, vector<16xf32>,
        tpu.vector_store %arg11[%parallel_loop3A_328], %parallel_loop3A_325 {strides = array<i32>} : memref<4096xf32, #tpu.memory_space<vmem>>, vector<16xf32>,
      } {sc.loop_unroll_factor = 8 : i64, sc.parallel_access}
      %dma_start3A_307 = arith.constant 0 : i32
      %dma_start3A_308 = tpu.memref_slice %arg4[%add3A_291, %add3A_100, %dma_start3A_307] : memref<50x64x4096xf32, #tpu.memory_space<hbm>> -> memref<1x1x4096xf32, #tpu.memory_space<hbm>>
      %dma_start3A_309 = tpu.memref_squeeze %dma_start3A_308 : memref<1x1x4096xf32, #tpu.memory_space<hbm>> -> memref<4096xf32, #tpu.memory_space<hbm>>
      %dma_start3A_310 = arith.constant 0 : i32
      %dma_start3A_311 = tpu.memref_slice %arg4[%add3A_291, %add3A_100, %dma_start3A_310] : memref<50x64x4096xf32, #tpu.memory_space<hbm>> -> memref<1x1x4096xf32, #tpu.memory_space<hbm>>
      %dma_start3A_312 = tpu.memref_squeeze %dma_start3A_311 : memref<1x1x4096xf32, #tpu.memory_space<hbm>> -> memref<4096xf32, #tpu.memory_space<hbm>>
      tpu.enqueue_dma source(%arg11 : memref<4096xf32, #tpu.memory_space<vmem>>) target(%dma_start3A_312 : memref<4096xf32, #tpu.memory_space<hbm>>) target_semaphore(%arg17 : memref<!tpu.dma_semaphore, #tpu.memory_space<semaphore_mem>>)
      %add3A_313 = arith.constant 4 : i32
      %add3A_314 = arith.addi %add3A_291, %add3A_313 : i32
      %lt3A_315 = arith.constant 50 : i32
      %lt3A_316 = arith.cmpi slt, %add3A_314, %lt3A_315 : i32
      %convert_element_type3A_317 = arith.extui %lt3A_316 : i1 to i32
      %cond3A_318 = arith.constant 0 : i32
      %cond3A_319 = arith.cmpi ne, %convert_element_type3A_317, %cond3A_318 : i32
      scf.if %cond3A_319 {
        %dma_start3A_320 = arith.constant 0 : i32
        %dma_start3A_321 = tpu.memref_slice %arg2[%add3A_314, %dma_start3A_320] : memref<50x4096xi32, #tpu.memory_space<hbm>> -> memref<1x4096xi32, #tpu.memory_space<hbm>>
        %dma_start3A_322 = tpu.memref_squeeze %dma_start3A_321 : memref<1x4096xi32, #tpu.memory_space<hbm>> -> memref<4096xi32, #tpu.memory_space<hbm>>
        %dma_start3A_323 = arith.constant 0 : i32
        %dma_start3A_324 = tpu.memref_slice %arg2[%add3A_314, %dma_start3A_323] : memref<50x4096xi32, #tpu.memory_space<hbm>> -> memref<1x4096xi32, #tpu.memory_space<hbm>>
        %dma_start3A_325 = tpu.memref_squeeze %dma_start3A_324 : memref<1x4096xi32, #tpu.memory_space<hbm>> -> memref<4096xi32, #tpu.memory_space<hbm>>
        tpu.enqueue_dma source(%dma_start3A_325 : memref<4096xi32, #tpu.memory_space<hbm>>) target(%arg9 : memref<4096xi32, #tpu.memory_space<vmem>>) target_semaphore(%arg15 : memref<!tpu.dma_semaphore, #tpu.memory_space<semaphore_mem>>)
      } else {
      }
    }
    %scan3A_134 = arith.constant 12 : i32
    %dma_wait3A_135 = arith.constant 48 : i32
    %dma_wait3A_136 = arith.constant 0 : i32
    %dma_wait3A_137 = tpu.memref_slice %arg4[%dma_wait3A_135, %add3A_100, %dma_wait3A_136] : memref<50x64x4096xf32, #tpu.memory_space<hbm>> -> memref<1x1x4096xf32, #tpu.memory_space<hbm>>
    %dma_wait3A_138 = tpu.memref_squeeze %dma_wait3A_137 : memref<1x1x4096xf32, #tpu.memory_space<hbm>> -> memref<4096xf32, #tpu.memory_space<hbm>>
    %dma_wait3A_139 = arith.constant 0 : i32
    %dma_wait3A_140 = tpu.memref_slice %arg4[%dma_wait3A_135, %add3A_100, %dma_wait3A_139] : memref<50x64x4096xf32, #tpu.memory_space<hbm>> -> memref<1x1x4096xf32, #tpu.memory_space<hbm>>
    %dma_wait3A_141 = tpu.memref_squeeze %dma_wait3A_140 : memref<1x1x4096xf32, #tpu.memory_space<hbm>> -> memref<4096xf32, #tpu.memory_space<hbm>>
    tpu.wait_dma2 semaphore(%arg16 : memref<!tpu.dma_semaphore, #tpu.memory_space<semaphore_mem>>) src(%arg10 : memref<4096xf32, #tpu.memory_space<vmem>>) dst(%dma_wait3A_141 : memref<4096xf32, #tpu.memory_space<hbm>>)
    %dma_wait3A_142 = arith.constant 48 : i32
    %dma_wait3A_143 = arith.constant 0 : i32
    %dma_wait3A_144 = tpu.memref_slice %arg2[%dma_wait3A_142, %dma_wait3A_143] : memref<50x4096xi32, #tpu.memory_space<hbm>> -> memref<1x4096xi32, #tpu.memory_space<hbm>>
    %dma_wait3A_145 = tpu.memref_squeeze %dma_wait3A_144 : memref<1x4096xi32, #tpu.memory_space<hbm>> -> memref<4096xi32, #tpu.memory_space<hbm>>
    %dma_wait3A_146 = arith.constant 0 : i32
    %dma_wait3A_147 = tpu.memref_slice %arg2[%dma_wait3A_142, %dma_wait3A_146] : memref<50x4096xi32, #tpu.memory_space<hbm>> -> memref<1x4096xi32, #tpu.memory_space<hbm>>
    %dma_wait3A_148 = tpu.memref_squeeze %dma_wait3A_147 : memref<1x4096xi32, #tpu.memory_space<hbm>> -> memref<4096xi32, #tpu.memory_space<hbm>>
    tpu.wait_dma2 semaphore(%arg12 : memref<!tpu.dma_semaphore, #tpu.memory_space<semaphore_mem>>) src(%dma_wait3A_148 : memref<4096xi32, #tpu.memory_space<hbm>>) dst(%arg6 : memref<4096xi32, #tpu.memory_space<vmem>>)
    %parallel_loop3A_149 = arith.constant 0 : i32
    %parallel_loop3A_150 = arith.constant 256 : i32
    %parallel_loop3A_151 = arith.constant 1 : i32
    scf.for %parallel_loop3A_197 = %parallel_loop3A_149 to %parallel_loop3A_150 step %parallel_loop3A_151  : i32 {
      %parallel_loop3A_198 = arith.constant 16 : i32
      %parallel_loop3A_199 = arith.muli %parallel_loop3A_197, %parallel_loop3A_198 : i32
      %parallel_loop3A_200 = arith.index_cast %parallel_loop3A_199 : i32 to index
      %parallel_loop3A_201 = tpu.vector_load %arg6[%parallel_loop3A_200] {strides = array<i32>} : memref<4096xi32, #tpu.memory_space<vmem>>, vector<16xi32>,
      %parallel_loop3A_202 = tpu.vector_load_idx %arg5[%parallel_loop3A_201] : memref<100000xf32, #tpu.memory_space<vmem>>[vector<16xi32>], vector<16xf32>,
      %parallel_loop3A_203 = arith.constant 16 : i32
      %parallel_loop3A_204 = arith.muli %parallel_loop3A_197, %parallel_loop3A_203 : i32
      %parallel_loop3A_205 = arith.index_cast %parallel_loop3A_204 : i32 to index
      %parallel_loop3A_206 = tpu.vector_load %arg10[%parallel_loop3A_205] {strides = array<i32>} : memref<4096xf32, #tpu.memory_space<vmem>>, vector<16xf32>,
      tpu.vector_store %arg10[%parallel_loop3A_205], %parallel_loop3A_202 {strides = array<i32>} : memref<4096xf32, #tpu.memory_space<vmem>>, vector<16xf32>,
    } {sc.loop_unroll_factor = 8 : i64, sc.parallel_access}
    %dma_start3A_152 = arith.constant 48 : i32
    %dma_start3A_153 = arith.constant 0 : i32
    %dma_start3A_154 = tpu.memref_slice %arg4[%dma_start3A_152, %add3A_100, %dma_start3A_153] : memref<50x64x4096xf32, #tpu.memory_space<hbm>> -> memref<1x1x4096xf32, #tpu.memory_space<hbm>>
    %dma_start3A_155 = tpu.memref_squeeze %dma_start3A_154 : memref<1x1x4096xf32, #tpu.memory_space<hbm>> -> memref<4096xf32, #tpu.memory_space<hbm>>
    %dma_start3A_156 = arith.constant 0 : i32
    %dma_start3A_157 = tpu.memref_slice %arg4[%dma_start3A_152, %add3A_100, %dma_start3A_156] : memref<50x64x4096xf32, #tpu.memory_space<hbm>> -> memref<1x1x4096xf32, #tpu.memory_space<hbm>>
    %dma_start3A_158 = tpu.memref_squeeze %dma_start3A_157 : memref<1x1x4096xf32, #tpu.memory_space<hbm>> -> memref<4096xf32, #tpu.memory_space<hbm>>
    tpu.enqueue_dma source(%arg10 : memref<4096xf32, #tpu.memory_space<vmem>>) target(%dma_start3A_158 : memref<4096xf32, #tpu.memory_space<hbm>>) target_semaphore(%arg16 : memref<!tpu.dma_semaphore, #tpu.memory_space<semaphore_mem>>)
    %dma_wait3A_159 = arith.constant 49 : i32
    %dma_wait3A_160 = arith.constant 0 : i32
    %dma_wait3A_161 = tpu.memref_slice %arg4[%dma_wait3A_159, %add3A_100, %dma_wait3A_160] : memref<50x64x4096xf32, #tpu.memory_space<hbm>> -> memref<1x1x4096xf32, #tpu.memory_space<hbm>>
    %dma_wait3A_162 = tpu.memref_squeeze %dma_wait3A_161 : memref<1x1x4096xf32, #tpu.memory_space<hbm>> -> memref<4096xf32, #tpu.memory_space<hbm>>
    %dma_wait3A_163 = arith.constant 0 : i32
    %dma_wait3A_164 = tpu.memref_slice %arg4[%dma_wait3A_159, %add3A_100, %dma_wait3A_163] : memref<50x64x4096xf32, #tpu.memory_space<hbm>> -> memref<1x1x4096xf32, #tpu.memory_space<hbm>>
    %dma_wait3A_165 = tpu.memref_squeeze %dma_wait3A_164 : memref<1x1x4096xf32, #tpu.memory_space<hbm>> -> memref<4096xf32, #tpu.memory_space<hbm>>
    tpu.wait_dma2 semaphore(%arg17 : memref<!tpu.dma_semaphore, #tpu.memory_space<semaphore_mem>>) src(%arg11 : memref<4096xf32, #tpu.memory_space<vmem>>) dst(%dma_wait3A_165 : memref<4096xf32, #tpu.memory_space<hbm>>)
    %dma_wait3A_166 = arith.constant 49 : i32
    %dma_wait3A_167 = arith.constant 0 : i32
    %dma_wait3A_168 = tpu.memref_slice %arg2[%dma_wait3A_166, %dma_wait3A_167] : memref<50x4096xi32, #tpu.memory_space<hbm>> -> memref<1x4096xi32, #tpu.memory_space<hbm>>
    %dma_wait3A_169 = tpu.memref_squeeze %dma_wait3A_168 : memref<1x4096xi32, #tpu.memory_space<hbm>> -> memref<4096xi32, #tpu.memory_space<hbm>>
    %dma_wait3A_170 = arith.constant 0 : i32
    %dma_wait3A_171 = tpu.memref_slice %arg2[%dma_wait3A_166, %dma_wait3A_170] : memref<50x4096xi32, #tpu.memory_space<hbm>> -> memref<1x4096xi32, #tpu.memory_space<hbm>>
    %dma_wait3A_172 = tpu.memref_squeeze %dma_wait3A_171 : memref<1x4096xi32, #tpu.memory_space<hbm>> -> memref<4096xi32, #tpu.memory_space<hbm>>
    tpu.wait_dma2 semaphore(%arg13 : memref<!tpu.dma_semaphore, #tpu.memory_space<semaphore_mem>>) src(%dma_wait3A_172 : memref<4096xi32, #tpu.memory_space<hbm>>) dst(%arg7 : memref<4096xi32, #tpu.memory_space<vmem>>)
    %parallel_loop3A_173 = arith.constant 0 : i32
    %parallel_loop3A_174 = arith.constant 256 : i32
    %parallel_loop3A_175 = arith.constant 1 : i32
    scf.for %parallel_loop3A_197 = %parallel_loop3A_173 to %parallel_loop3A_174 step %parallel_loop3A_175  : i32 {
      %parallel_loop3A_198 = arith.constant 16 : i32
      %parallel_loop3A_199 = arith.muli %parallel_loop3A_197, %parallel_loop3A_198 : i32
      %parallel_loop3A_200 = arith.index_cast %parallel_loop3A_199 : i32 to index
      %parallel_loop3A_201 = tpu.vector_load %arg7[%parallel_loop3A_200] {strides = array<i32>} : memref<4096xi32, #tpu.memory_space<vmem>>, vector<16xi32>,
      %parallel_loop3A_202 = tpu.vector_load_idx %arg5[%parallel_loop3A_201] : memref<100000xf32, #tpu.memory_space<vmem>>[vector<16xi32>], vector<16xf32>,
      %parallel_loop3A_203 = arith.constant 16 : i32
      %parallel_loop3A_204 = arith.muli %parallel_loop3A_197, %parallel_loop3A_203 : i32
      %parallel_loop3A_205 = arith.index_cast %parallel_loop3A_204 : i32 to index
      %parallel_loop3A_206 = tpu.vector_load %arg11[%parallel_loop3A_205] {strides = array<i32>} : memref<4096xf32, #tpu.memory_space<vmem>>, vector<16xf32>,
      tpu.vector_store %arg11[%parallel_loop3A_205], %parallel_loop3A_202 {strides = array<i32>} : memref<4096xf32, #tpu.memory_space<vmem>>, vector<16xf32>,
    } {sc.loop_unroll_factor = 8 : i64, sc.parallel_access}
    %dma_start3A_176 = arith.constant 49 : i32
    %dma_start3A_177 = arith.constant 0 : i32
    %dma_start3A_178 = tpu.memref_slice %arg4[%dma_start3A_176, %add3A_100, %dma_start3A_177] : memref<50x64x4096xf32, #tpu.memory_space<hbm>> -> memref<1x1x4096xf32, #tpu.memory_space<hbm>>
    %dma_start3A_179 = tpu.memref_squeeze %dma_start3A_178 : memref<1x1x4096xf32, #tpu.memory_space<hbm>> -> memref<4096xf32, #tpu.memory_space<hbm>>
    %dma_start3A_180 = arith.constant 0 : i32
    %dma_start3A_181 = tpu.memref_slice %arg4[%dma_start3A_176, %add3A_100, %dma_start3A_180] : memref<50x64x4096xf32, #tpu.memory_space<hbm>> -> memref<1x1x4096xf32, #tpu.memory_space<hbm>>
    %dma_start3A_182 = tpu.memref_squeeze %dma_start3A_181 : memref<1x1x4096xf32, #tpu.memory_space<hbm>> -> memref<4096xf32, #tpu.memory_space<hbm>>
    tpu.enqueue_dma source(%arg11 : memref<4096xf32, #tpu.memory_space<vmem>>) target(%dma_start3A_182 : memref<4096xf32, #tpu.memory_space<hbm>>) target_semaphore(%arg17 : memref<!tpu.dma_semaphore, #tpu.memory_space<semaphore_mem>>)
    %dma_wait3A_183 = arith.constant 0 : i32
    %dma_wait3A_184 = arith.constant 0 : i32
    %dma_wait3A_185 = tpu.memref_slice %arg4[%dma_wait3A_183, %add3A_100, %dma_wait3A_184] : memref<50x64x4096xf32, #tpu.memory_space<hbm>> -> memref<1x1x4096xf32, #tpu.memory_space<hbm>>
    %dma_wait3A_186 = tpu.memref_squeeze %dma_wait3A_185 : memref<1x1x4096xf32, #tpu.memory_space<hbm>> -> memref<4096xf32, #tpu.memory_space<hbm>>
    %dma_wait3A_187 = arith.constant 0 : i32
    %dma_wait3A_188 = tpu.memref_slice %arg4[%dma_wait3A_183, %add3A_100, %dma_wait3A_187] : memref<50x64x4096xf32, #tpu.memory_space<hbm>> -> memref<1x1x4096xf32, #tpu.memory_space<hbm>>
    %dma_wait3A_189 = tpu.memref_squeeze %dma_wait3A_188 : memref<1x1x4096xf32, #tpu.memory_space<hbm>> -> memref<4096xf32, #tpu.memory_space<hbm>>
    tpu.wait_dma2 semaphore(%arg16 : memref<!tpu.dma_semaphore, #tpu.memory_space<semaphore_mem>>) src(%arg10 : memref<4096xf32, #tpu.memory_space<vmem>>) dst(%dma_wait3A_189 : memref<4096xf32, #tpu.memory_space<hbm>>)
    %dma_wait3A_190 = arith.constant 0 : i32
    %dma_wait3A_191 = arith.constant 0 : i32
    %dma_wait3A_192 = tpu.memref_slice %arg4[%dma_wait3A_190, %add3A_100, %dma_wait3A_191] : memref<50x64x4096xf32, #tpu.memory_space<hbm>> -> memref<1x1x4096xf32, #tpu.memory_space<hbm>>
    %dma_wait3A_193 = tpu.memref_squeeze %dma_wait3A_192 : memref<1x1x4096xf32, #tpu.memory_space<hbm>> -> memref<4096xf32, #tpu.memory_space<hbm>>
    %dma_wait3A_194 = arith.constant 0 : i32
    %dma_wait3A_195 = tpu.memref_slice %arg4[%dma_wait3A_190, %add3A_100, %dma_wait3A_194] : memref<50x64x4096xf32, #tpu.memory_space<hbm>> -> memref<1x1x4096xf32, #tpu.memory_space<hbm>>
    %dma_wait3A_196 = tpu.memref_squeeze %dma_wait3A_195 : memref<1x1x4096xf32, #tpu.memory_space<hbm>> -> memref<4096xf32, #tpu.memory_space<hbm>>
    tpu.wait_dma2 semaphore(%arg17 : memref<!tpu.dma_semaphore, #tpu.memory_space<semaphore_mem>>) src(%arg11 : memref<4096xf32, #tpu.memory_space<vmem>>) dst(%dma_wait3A_196 : memref<4096xf32, #tpu.memory_space<hbm>>)
    return
  }
}

</mosaic_0001>

<sc_bundles>
// kernel: _embed_gather.3.cloned.1.call-start
scs
__scs_entry_jumppad:
0x0: {  	(pc) =	sbr.rel $0x88, $3  }
0x1: {  	(tag) =	ssettag $0x0;
	lr =	simm.s32 $0x1  }
0x2: {  	[smem:$0x3F9F] =	sst lr;
	_ =	strace $0xD0000000  }
0x3: {  	_ = 	snop  }
0x4: {  	_ = 	snop  }
0x5: {  	_ = 	snop  }
0x6: {  	_ = 	snop  }
0x7: {  	_ = 	snop  }
__scs_overlays_trampoline_lowered:
0x8: {  	[smem:$0x3FAE] =	sst s0  }
0x9: {  	[smem:$0x3FAF] =	sst s1  }
0xa: {  	[smem:$0x3FB0] =	sst s2  }
0xb: {  	[smem:$0x3FB1] =	sst s3  }
0xc: {  	[smem:$0x3FB2] =	sst s4  }
0xd: {  	[smem:$0x3FB3] =	sst s5  }
0xe: {  	[smem:$0x3FB4] =	sst s6  }
0xf: {  	[smem:$0x3FB5] =	sst s7  }
0x10: {  	[smem:$0x3FB6] =	sst s8  }
0x11: {  	[smem:$0x3FB7] =	sst s9;
	s0 =	simm.s32 @!p0 $0x0  }
0x12: {  	s1 =	sld [smem:$0x3F9D];
	s0 =	simm.s32 @p0 $0x1  }
0x13: {  	[smem:$0x3FB8] =	sst s0;
	s0 =	simm.s32 @!p1 $0x0  }
0x14: {  	s2 =	sld [smem:$0x3F9C];
	s0 =	simm.s32 @p1 $0x1  }
0x15: {  	[smem:$0x3FB9] =	sst s0;
	s0 =	simm.s32 @!p2 $0x0  }
0x16: {  	s3 =	sld [smem:$0x3FDB];
	s0 =	simm.s32 @p2 $0x1  }
0x17: {  	s4 =	simm.s32 $0x1BF5;
	[smem:$0x3FBB] =	sst s0  }
0x18: {  	s0 =	sld [smem:$0x3F9E];
	_ =	swait.ge [sflag:s4], $0x0  }
0x19: {  	s7 =	sld [smem:$0x3F9F]  }
0x1a: {  	s8 =	sadd.s32 $0xFFFFE003, lr  }
0x1b: {  	s9 =	sadd.s32 $0xFFFFFEF7, lr;
	s5 =	simm.s32 $0xFFFFFFFF;
	p2 =	slt.u32 s8, $0xFFFFF086  }
0x1c: {  	p1 =	slt.u32 s9, $0xF7A;
	s5 =	simm.s32 @!p2 $0x0  }
0x1d: {  	s5 =	simm.s32 @p1 $0x1;
	p0 =	seq.s32 s7, s2  }
0x1e: {  	s7 =	smul.u32 @!p0 $0xF7A, s2;
	p2 =	seq.s32 @!p0 s5, $0x0  }
0x1f: {  	s9 =	smul.u32 $0xF7A, s1;
	s8 =	simm.s32 @!p0 $0x1BF5;
	p2 =	por !p2, p0  }
0x20: {  	[sflag:s8] =	ssyncset.s32 @!p0 $0xFFFFF086;
	s6 =	sadd.s32 @!p0 s3, s7;
	s7 =	simm.s32 @!p0 $0x108  }
0x21: {  	s3 =	sadd.s32 s3, s9;
	s6 =	sadd.s32 @!p0 $0x88, s6;
	s7 =	simm.s32 @p2 $0x1082  }
0x22: {  	[simem:s7], [sflag:s8] =	dma.local @!p0 [hbm:s6], $0xF7A  }
0x23: {  	s9 =	sor.u32 $0xD0000000, s2;
	s6 =	simm.s32 $0x108;
	_ =	swait.ge @!p0 [sflag:s8], $0x0  }
0x24: {  	s3 =	sadd.s32 $0x88, s3;
	s6 =	simm.s32 @!p1 $0x1082;
	[sflag:s4] =	ssyncset.s32 $0xFFFFF086  }
0x25: {  	[simem:s6], [sflag:s4] =	dma.local [hbm:s3], $0xF7A  }
0x26: {  	[smem:$0x3F9F] =	sst s1;
	(tag) =	ssettag s2;
	_ =	strace s9  }
0x27: {  	s1 =	sld [smem:$0x3FAF]  }
0x28: {  	s2 =	sld [smem:$0x3FB0]  }
0x29: {  	s4 =	sld [smem:$0x3FB2]  }
0x2a: {  	p0 =	seq.s32 s5, $0x0;
	s5 =	sld [smem:$0x3FB3]  }
0x2b: {  	s6 =	sld [smem:$0x3FB4]  }
0x2c: {  	s7 =	sld [smem:$0x3FB5]  }
0x2d: {  	s3 =	simm.s32 $0x108;
	s8 =	sld [smem:$0x3FB6]  }
0x2e: {  	s3 =	simm.s32 @!p0 $0x1082;
	s9 =	sld [smem:$0x3FB7]  }
0x2f: {  	lr =	sadd.s32 s0, s3;
	s0 =	sld [smem:$0x3FAE]  }
0x30: {  	s3 =	sld [smem:$0x3FB1]  }
0x31: {  	[smem:$0x3FBA] =	sst s10  }
0x32: {  	s10 =	sld [smem:$0x3FB8];
	_ =	sdelay $0x3  }
0x33: {  	p0 =	seq.s32 s10, $0x1;
	s10 =	sld [smem:$0x3FBA];
	_ =	sdelay $0x3  }
0x34: {  	[smem:$0x3FBA] =	sst s10  }
0x35: {  	s10 =	sld [smem:$0x3FB9];
	_ =	sdelay $0x3  }
0x36: {  	p1 =	seq.s32 s10, $0x1;
	s10 =	sld [smem:$0x3FBA];
	_ =	sdelay $0x3  }
0x37: {  	[smem:$0x3FBA] =	sst s10  }
0x38: {  	s10 =	sld [smem:$0x3FBB]  }
0x39: {  	_ = 	snop;
	(pc) =	sbr.ind lr, $3  }
0x3a: {  	_ = 	snop  }
0x3b: {  	_ = 	snop  }
0x3c: {  	p2 =	seq.s32 s10, $0x1;
	s10 =	sld [smem:$0x3FBA]  }
0x3d: {  	_ =	shalt  }
0x3e: {  	_ =	shalt  }
0x3f: {  	_ =	shalt  }
0x40: {  	_ =	shalt  }
0x41: {  	_ =	shalt  }
0x42: {  	_ =	shalt  }
0x43: {  	_ =	shalt  }
0x44: {  	_ =	shalt  }
0x45: {  	_ =	shalt  }
0x46: {  	_ =	shalt  }
0x47: {  	_ =	shalt  }
0x48: {  	_ =	shalt  }
0x49: {  	_ =	shalt  }
0x4a: {  	_ =	shalt  }
0x4b: {  	_ =	shalt  }
0x4c: {  	_ =	shalt  }
0x4d: {  	_ =	shalt  }
0x4e: {  	_ =	shalt  }
0x4f: {  	_ =	shalt  }
0x50: {  	_ =	shalt  }
0x51: {  	_ =	shalt  }
0x52: {  	_ =	shalt  }
0x53: {  	_ =	shalt  }
0x54: {  	_ =	shalt  }
0x55: {  	_ =	shalt  }
0x56: {  	_ =	shalt  }
0x57: {  	_ =	shalt  }
0x58: {  	_ =	shalt  }
0x59: {  	_ =	shalt  }
0x5a: {  	_ =	shalt  }
0x5b: {  	_ =	shalt  }
0x5c: {  	_ =	shalt  }
0x5d: {  	_ =	shalt  }
0x5e: {  	_ =	shalt  }
0x5f: {  	_ =	shalt  }
0x60: {  	_ =	shalt  }
0x61: {  	_ =	shalt  }
0x62: {  	_ =	shalt  }
0x63: {  	_ =	shalt  }
0x64: {  	_ =	shalt  }
0x65: {  	_ =	shalt  }
0x66: {  	_ =	shalt  }
0x67: {  	_ =	shalt  }
0x68: {  	_ =	shalt  }
0x69: {  	_ =	shalt  }
0x6a: {  	_ =	shalt  }
0x6b: {  	_ =	shalt  }
0x6c: {  	_ =	shalt  }
0x6d: {  	_ =	shalt  }
0x6e: {  	_ =	shalt  }
0x6f: {  	_ =	shalt  }
0x70: {  	_ =	shalt  }
0x71: {  	_ =	shalt  }
0x72: {  	_ =	shalt  }
0x73: {  	_ =	shalt  }
0x74: {  	_ =	shalt  }
0x75: {  	_ =	shalt  }
0x76: {  	_ =	shalt  }
0x77: {  	_ =	shalt  }
0x78: {  	_ =	shalt  }
0x79: {  	_ =	shalt  }
0x7a: {  	_ =	shalt  }
0x7b: {  	_ =	shalt  }
0x7c: {  	_ =	shalt  }
0x7d: {  	_ =	shalt  }
0x7e: {  	_ =	shalt  }
0x7f: {  	_ =	shalt  }
0x80: {  	_ =	shalt  }
0x81: {  	_ =	shalt  }
0x82: {  	_ =	shalt  }
0x83: {  	_ =	shalt  }
0x84: {  	_ =	shalt  }
0x85: {  	_ =	shalt  }
0x86: {  	_ =	shalt  }
0x87: {  	_ =	shalt  }
.Lfunc_end0:
.L_simem_size_0:
called_computation_lowered:
.L_overlay_start_0:
0x88: {  	s2 =	sld [smem:$0x3FD9]  }
0x89: {  	s3 =	sld [smem:$0x3FFE];
	_ =	sdelay $0x1  }
0x8a: {  	s1 =	srdreg.scid  }
0x8b: {  	s0 =	sand.u32 $0x1, s1  }
0x8c: {  	s18 =	sshll.u32 s0, $0xA;
	s2 =	sadd.s32 s3, s2  }
0x8d: {  	s2 =	sadd.s32 s2, s18  }
0x8e: {  	[smem:$0x3FC6] =	sst s2  }
0x8f: {  	_ = 	snop  }
0x90: {  	s2 =	sld [smem:$0x3FC9]  }
0x91: {  	s19 =	sld [smem:$0x3FC8]  }
0x92: {  	s4 =	sld [smem:$0x3FD0];
	(tm) =	ssettm $0x1  }
0x93: {  	s5 =	sld [smem:$0x3FFB];
	_ =	sdelay $0x3  }
0x94: {  	_ =	strace s5  }
0x95: {  	s5 =	sld [smem:$0x3FFC];
	_ =	sdelay $0x3  }
0x96: {  	_ =	strace s5  }
0x97: {  	s5 =	sld [smem:$0x3FFD];
	_ =	sdelay $0x3  }
0x98: {  	_ =	strace s5  }
0x99: {  	_ =	strace $0x8FFFFFFF  }
0x9a: {  	s20 =	sld [smem:$0x3FDB];
	_ =	sdelay $0x1  }
0x9b: {  	s6 =	simm.s32 $_scs_section_size  }
0x9c: {  	s7 =	simm.s32 $_size__tile_overlayer_lowered;
	s8 =	simm.s32 $_tile_overlayer_lowered  }
0x9d: {  	s23 =	simm.s32 $0x1BFF;
	s22 =	sshll.u32 s8, $0x1;
	s5 =	sadd.s32 s6, s20  }
0x9e: {  	s9 =	simm.s32 $0x0;
	s21 =	sshll.u32 s7, $0x1;
	s7 =	sadd.s32 s22, s5  }
0x9f: {  	[timem:s9], [sflag:s23] =	dma.local [hbm:s7], s21  }
0xa0: {  	_ =	swait.ge [sflag:s23], s21  }
0xa1: {  	s6 =	ssub.s32 $0x0, s21;
	[sflag:s23] =	ssyncset.done $0x0  }
0xa2: {  	[sflag:s23] =	ssyncadd.s32 s6;
	_ =	sdelay $0x1  }
0xa3: {  	s24 =	simm.s32 $0x1B8B  }
0xa4: {  	_ =	swait.ge [sflag:s24], $0x1  }
0xa5: {  	[sflag:s24] =	ssyncset.done $0x0  }
0xa6: {  	s25 =	simm.s32 $0x1B8E;
	[sflag:s24] =	ssyncadd.s32 $0xFFFFFFFF  }
0xa7: {  	s26 =	simm.s32 $execute0_lowered;
	[smem:$0x3FD2] =	sst s25  }
0xa8: {  	s6 =	sshll.u32 s26, $0x1;
	_ =	strace $0x80000046;
	[dreg:$0x1] =	wrdreg $0xFFFFFFFF  }
0xa9: {  	s28 =	simm.s32 $_size_execute0_lowered;
	s5 =	sadd.s32 s5, s6;
	[dreg:$0x0] =	wrdreg $0x0  }
0xaa: {  	s6 =	sshll.u32 s28, $0x1;
	[dreg:$0x2] =	wrdreg s5  }
0xab: {  	[dreg:$0x3] =	wrdreg s6  }
0xac: {  	[dreg:$0x4] =	wrdreg $0xC0  }
0xad: {  	_ =	task [dreg:s9], $0x5FFFF  }
0xae: {  	[dreg:$0x1] =	wrdreg $0xFFFFFFFF  }
0xaf: {  	[dreg:$0x0] =	wrdreg $0x60  }
0xb0: {  	[dreg:$0x2] =	wrdreg s2  }
0xb1: {  	[dreg:$0x3] =	wrdreg s19  }
0xb2: {  	[dreg:$0x4] =	wrdreg s4  }
0xb3: {  	[dreg:$0x5] =	wrdreg $0x9  }
0xb4: {  	_ =	task.clear_ibuf [dreg:s9], $0x6FFFF;
	_ =	strace $0x90000046  }
0xb5: {  	s29 =	simm.s32 $0x9;
	_ =	strace $0x80000048  }
0xb6: {  	_ =	swait.ge [sflag:s29], $0x1  }
0xb7: {  	[sflag:s29] =	ssyncadd.s32 $0xFFFFFFFF  }
0xb8: {  	_ =	strace $0x90000048  }
0xb9: {  	_ =	sfence  }
0xba: {  	s30 =	sld [smem:$0x0];
	_ =	sdelay $0x2  }
0xbb: {  	s31 =	sshll.u32 s1, $0xD;
	s1 =	sshrl.u32 s1, $0x2  }
0xbc: {  	s3 =	sand.u32 $0x4000, s31;
	s1 =	sadd.s32 s1, s30  }
0xbd: {  	s0 =	sor.u32 s3, s0;
	s1 =	sshll.u32 s1, $0x11  }
0xbe: {  	s0 =	sor.u32 s1, s0  }
0xbf: {  	s0 =	sadd.s32 $0x8F2B, s0  }
0xc0: {  	[sflag:s0] =	ssyncadd.remote.s32 $0x1  }
0xc1: {  	_ =	sfence.sel $0xFFFF  }
0xc2: {  	[dreg:$0x0] =	wrdreg $0xFFFFFFFF;
	(pc) =	sbr.abs _section_cstart, $3  }
0xc3: {  	[dreg:$0x1] =	wrdreg $0xFFFFFFFF  }
0xc4: {  	_ =	task.clear_ibuf [dreg:s9], $0x2FFFF;
	_ =	strace $0x9FFFFFFF  }
0xc5: {  	(tm) =	ssettm $0x7FFFFFFF  }
tec
execute0_lowered:
.L_overlay_start_1:
0x0: {  	(tag) =	ssettag $0x1  }
0x1: {  	s1 =	rddreg [dreg:$0x0]  }
0x2: {  	s0 =	rddreg [dreg:$0x1]  }
0x3: {  	s2 =	rddreg [dreg:$0x2]  }
0x4: {  	s3 =	srdreg.scid;
	s5 =	stileid.u32;
	s28 =	simm.s32 $0x1B700  }
0x5: {  	s29 =	simm.s32 $0x1;
	s30 =	simm.s32 $0x1C700;
	s31 =	simm.s32 $0x2  }
0x6: {  	s3 =	sand.u32 $0x1, s3;
	s4 =	sshll.u32 s5, $0x9;
	s6 =	sshrl.u32 s5, $0x1  }
0x7: {  	s5 =	simm.s32 $0x0;
	s17 =	sadd.s32 $0x10, s1;
	s18 =	sadd.s32 $0x20, s1  }
0x8: {  	s19 =	sadd.s32 $0x30, s1;
	s11 =	sadd.s32 $0x8000, s2;
	s12 =	sadd.s32 $0x10000, s2  }
0x9: {  	s13 =	sadd.s32 $0x18000, s2;
	s16 =	sshll.u32 s3, $0x8;
	[smem:$0x7FF] =	sst s5  }
0xa: {  	s4 =	sand.u32 $0x200, s4;
	_ =	strace $0x80000047;
	[dreg:$0x5] =	wrdreg s17  }
0xb: {  	s7 =	smul.u32 $0xC3800, s6;
	s3 =	ssub.s32 $0x2, s3;
	[dreg:$0x6] =	wrdreg s18  }
0xc: {  	s4 =	sor.u32 s16, s4;
	s9 =	sshrl.u32 s3, $0x1;
	[dreg:$0x7] =	wrdreg s19  }
0xd: {  	s16 =	simm.s32 $0x0;
	s8 =	sor.u32 s7, s4;
	s3 =	ssub.s32 s3, s9  }
0xe: {  	s9 =	sshll.u32 s6, $0xF;
	s15 =	sor.u32 $0x80, s4;
	s8 =	sshrl.u32 s8, $0x3  }
0xf: {  	s20 =	sor.u32 $0xC00000, s9;
	s10 =	sor.u32 $0xC40000, s9;
	s7 =	sor.u32 s7, s15  }
0x10: {  	s26 =	smax.u32 s3, $0x1;
	s3 =	simm.s32 $0x1D700;
	s8 =	sadd.s32 s0, s8  }
0x11: {  	s21 =	sor.u32 s4, s20;
	s14 =	sor.u32 s4, s10;
	s6 =	sor.u32 s20, s15  }
0x12: {  	s7 =	sshrl.u32 s7, $0x3;
	s23 =	sor.u32 s10, s15;
	[dreg:$0xd] =	wrdreg s26  }
0x13: {  	s26 =	simm.s32 $0x4;
	[dreg:$0x4] =	wrdreg s8;
	s8 =	sshrl.u32 s21, $0x3  }
0x14: {  	s22 =	sshrl.u32 s14, $0x3;
	s6 =	sshrl.u32 s6, $0x3;
	s0 =	sadd.s32 s0, s7  }
0x15: {  	s25 =	sshrl.u32 s23, $0x3;
	s21 =	simm.s32 $0x80;
	s23 =	simm.s32 $0x7  }
0x16: {  	s14 =	simm.s32 $0x6;
	s8 =	sadd.s32 s2, s8;
	[dreg:$0xa] =	wrdreg s0  }
0x17: {  	s24 =	sadd.s32 s2, s6;
	s0 =	sadd.s32 s2, s25;
	[dreg:$0x8] =	wrdreg s8  }
0x18: {  	s25 =	simm.s32 $0x19700;
	s6 =	simm.s32 $0x3;
	[dreg:$0xb] =	wrdreg s24  }
0x19: {  	s8 =	sadd.s32 s2, s22;
	[dreg:$0xc] =	wrdreg s0;
	s22 =	simm.s32 $0x400  }
0x1a: {  	s24 =	simm.s32 $0x18700;
	s0 =	simm.s32 $0x5;
	[dreg:$0x9] =	wrdreg s8  }
.LBB2_1:
0x1b: {  	s7 =	rddreg [dreg:$0x4]  }
0x1c: {  	[tilespmem:s5], [sflag:$0x7] =	stream.strided.gather [hbm4b:s7+s21], $0x18700, s22, s21, $0x38;
	[tilespmem:$0x1E700] =	vst v63  }
0x1d: {  	_ =	swait.ge [sflag:s23], $0x18700  }
0x1e: {  	[sflag:s23] =	ssyncset.done $0x0  }
0x1f: {  	[sflag:s23] =	ssyncadd.s32 $0xFFFE7900  }
0x20: {  	[tilespmem:s24], [sflag:$0x1] =	stream.strided.gather [hbm4b:s1+s21], $0x1000, s22, s21, $0x38;
	[tilespmem:$0x1E700] =	vst v63  }
0x21: {  	s18 =	rddreg [dreg:$0x5]  }
0x22: {  	[tilespmem:s25], [sflag:$0x2] =	stream.strided.gather [hbm4b:s18+s21], $0x1000, s22, s21, $0x38;
	[tilespmem:$0x1E700] =	vst v63  }
0x23: {  	s8 =	simm.s32 $0x1A700;
	s19 =	rddreg [dreg:$0x6]  }
0x24: {  	[tilespmem:s8], [sflag:$0x3] =	stream.strided.gather [hbm4b:s19+s21], $0x1000, s22, s21, $0x38;
	[tilespmem:$0x1E700] =	vst v63  }
0x25: {  	s17 =	simm.s32 $0x0;
	s20 =	rddreg [dreg:$0x7]  }
0x26: {  	[tilespmem:s28], [sflag:$0x4] =	stream.strided.gather [hbm4b:s20+s21], $0x1000, s22, s21, $0x38;
	[tilespmem:$0x1E700] =	vst v63  }
.LBB2_2:
0x27: {  	p0 =	seq.s32 s17, $0x0  }
0x28: {  	s7 =	simm.s32 @!p0 $0x5  }
0x29: {  	_ =	swait.ge @!p0 [sflag:s7], $0x1000  }
0x2a: {  	[sflag:s7] =	ssyncset.done @!p0 $0x0  }
0x2b: {  	[sflag:s7] =	ssyncadd.s32 @!p0 $0xFFFFF000  }
0x2c: {  	_ =	swait.ge [sflag:s29], $0x1000  }
0x2d: {  	[sflag:s29] =	ssyncset.done $0x0  }
0x2e: {  	s20 =	simm.s32 $0x18740;
	[sflag:s29] =	ssyncadd.s32 $0xFFFFF000  }
0x2f: {  	v0 =	vld [tilespmem:s20+$0x30]  }
0x30: {  	v1 =	vld [tilespmem:s20+$0xFFFFFFD0]  }
0x31: {  	v2 =	vld [tilespmem:s20+$0xFFFFFFE0]  }
0x32: {  	v3 =	vld [tilespmem:s20+$0xFFFFFFF0]  }
0x33: {  	v6 =	vld [tilespmem:s20+$0x0]  }
0x34: {  	v7 =	vld [tilespmem:s20+$0x10]  }
0x35: {  	v8 =	vld [tilespmem:s20+$0x20]  }
0x36: {  	v9 =	vld [tilespmem:s20+$0xFFFFFFC0]  }
0x37: {  	v10 =	vld.idx.msk [tilespmem:v0+s5+$0x0], $0xffff  }
0x38: {  	v11 =	vld.idx.msk [tilespmem:v1+s5+$0x0], $0xffff  }
0x39: {  	v5 =	vld.idx.msk [tilespmem:v2+s5+$0x0], $0xffff  }
0x3a: {  	v4 =	vld.idx.msk [tilespmem:v3+s5+$0x0], $0xffff  }
0x3b: {  	v2 =	vld.idx.msk [tilespmem:v6+s5+$0x0], $0xffff  }
0x3c: {  	s20 =	simm.s32 $0x1C740;
	v1 =	vld.idx.msk [tilespmem:v7+s5+$0x0], $0xffff  }
0x3d: {  	v0 =	vld.idx.msk [tilespmem:v8+s5+$0x0], $0xffff;
	[tilespmem:s20+$0x30] =	vst v10  }
0x3e: {  	s18 =	sshll.u32 s17, $0x2;
	s8 =	simm.s32 $0x187C0;
	s7 =	simm.s32 $0x0;
	v3 =	vld.idx.msk [tilespmem:v9+s5+$0x0], $0xffff;
	[tilespmem:s20+$0xFFFFFFD0] =	vst v11  }
.LBB2_3:
0x3f: {  	v6 =	vld [tilespmem:s8+$0x30];
	s7 =	sadd.s32 $0x8, s7;
	[tilespmem:s20+$0xFFFFFFE0] =	vst v5  }
0x40: {  	v5 =	vld [tilespmem:s8+$0xFFFFFFD0];
	p1 =	slt.u32 s7, $0xF8;
	[tilespmem:s20+$0xFFFFFFF0] =	vst v4  }
0x41: {  	v4 =	vld [tilespmem:s8+$0xFFFFFFE0];
	[tilespmem:s20+$0x0] =	vst v2  }
0x42: {  	v2 =	vld [tilespmem:s8+$0xFFFFFFF0];
	[tilespmem:s20+$0x10] =	vst v1  }
0x43: {  	v1 =	vld [tilespmem:s8+$0x0];
	[tilespmem:s20+$0x20] =	vst v0  }
0x44: {  	v0 =	vld [tilespmem:s8+$0x10];
	[tilespmem:s20+$0xFFFFFFC0] =	vst v3  }
0x45: {  	v3 =	vld [tilespmem:s8+$0x20]  }
0x46: {  	v7 =	vld [tilespmem:s8+$0xFFFFFFC0]  }
0x47: {  	v6 =	vld.idx.msk [tilespmem:v6+s5+$0x0], $0xffff  }
0x48: {  	v8 =	vld.idx.msk [tilespmem:v5+s5+$0x0], $0xffff  }
0x49: {  	v5 =	vld.idx.msk [tilespmem:v4+s5+$0x0], $0xffff  }
.Ltmp0:
0x4a: {  	v4 =	vld.idx.msk [tilespmem:v2+s5+$0x0], $0xffff;
	(pc) =	sbr.rel @p1 .LBB2_3-.Ltmp0, $4  }
0x4b: {  	v2 =	vld.idx.msk [tilespmem:v1+s5+$0x0], $0xffff  }
0x4c: {  	s20 =	sadd.s32 $0x80, s20;
	v1 =	vld.idx.msk [tilespmem:v0+s5+$0x0], $0xffff  }
0x4d: {  	v0 =	vld.idx.msk [tilespmem:v3+s5+$0x0], $0xffff;
	[tilespmem:s20+$0x30] =	vst v6  }
0x4e: {  	s8 =	sadd.s32 $0x80, s8;
	v3 =	vld.idx.msk [tilespmem:v7+s5+$0x0], $0xffff;
	[tilespmem:s20+$0xFFFFFFD0] =	vst v8  }
0x4f: {  	[tilespmem:s20+$0xFFFFFFE0] =	vst v5  }
0x50: {  	[tilespmem:s20+$0xFFFFFFF0] =	vst v4;
	s7 =	sshll.u32 s17, $0x14  }
0x51: {  	[tilespmem:s20+$0x0] =	vst v2;
	s7 =	sor.u32 s7, s9  }
0x52: {  	[tilespmem:s20+$0x10] =	vst v1;
	s7 =	sor.u32 s4, s7  }
0x53: {  	s10 =	sadd.s32 $0x4, s18;
	[tilespmem:s20+$0x20] =	vst v0;
	s19 =	sshrl.u32 s7, $0x3  }
0x54: {  	s8 =	sshll.u32 s10, $0x4;
	[tilespmem:s20+$0xFFFFFFC0] =	vst v3;
	s7 =	sadd.s32 s2, s19  }
0x55: {  	[hbm4b:s7+s21] =	stream.strided.scatter [tilespmem:s30], [sflag:$0x5], $0x1000, s22, s21, $0x38;
	[tilespmem:$0x1E700] =	vst v63  }
0x56: {  	s8 =	sand.u32 $0x40, s8;
	s7 =	sshll.u32 s10, $0x9  }
0x57: {  	s8 =	sadd.s32 s1, s8;
	s7 =	sand.u32 $0xF000, s7  }
0x58: {  	s7 =	sadd.s32 s7, s8  }
0x59: {  	[tilespmem:s24], [sflag:$0x1] =	stream.strided.gather [hbm4b:s7+s21], $0x1000, s22, s21, $0x38;
	[tilespmem:$0x1E700] =	vst v63  }
0x5a: {  	s7 =	simm.s32 @!p0 $0x6  }
0x5b: {  	_ =	swait.ge @!p0 [sflag:s7], $0x1000  }
0x5c: {  	[sflag:s7] =	ssyncset.done @!p0 $0x0  }
0x5d: {  	[sflag:s7] =	ssyncadd.s32 @!p0 $0xFFFFF000  }
0x5e: {  	_ =	swait.ge [sflag:s31], $0x1000  }
0x5f: {  	[sflag:s31] =	ssyncset.done $0x0  }
0x60: {  	s20 =	simm.s32 $0x19740;
	[sflag:s31] =	ssyncadd.s32 $0xFFFFF000  }
0x61: {  	v0 =	vld [tilespmem:s20+$0x30]  }
0x62: {  	v1 =	vld [tilespmem:s20+$0xFFFFFFD0]  }
0x63: {  	v2 =	vld [tilespmem:s20+$0xFFFFFFE0]  }
0x64: {  	v3 =	vld [tilespmem:s20+$0xFFFFFFF0]  }
0x65: {  	v4 =	vld [tilespmem:s20+$0x0]  }
0x66: {  	v6 =	vld [tilespmem:s20+$0x10]  }
0x67: {  	v7 =	vld [tilespmem:s20+$0x20]  }
0x68: {  	v8 =	vld [tilespmem:s20+$0xFFFFFFC0]  }
0x69: {  	v9 =	vld.idx.msk [tilespmem:v0+s5+$0x0], $0xffff  }
0x6a: {  	v10 =	vld.idx.msk [tilespmem:v1+s5+$0x0], $0xffff  }
0x6b: {  	v5 =	vld.idx.msk [tilespmem:v2+s5+$0x0], $0xffff  }
0x6c: {  	v3 =	vld.idx.msk [tilespmem:v3+s5+$0x0], $0xffff  }
0x6d: {  	v0 =	vld.idx.msk [tilespmem:v4+s5+$0x0], $0xffff  }
0x6e: {  	s20 =	simm.s32 $0x1D740;
	v1 =	vld.idx.msk [tilespmem:v6+s5+$0x0], $0xffff  }
0x6f: {  	v2 =	vld.idx.msk [tilespmem:v7+s5+$0x0], $0xffff;
	[tilespmem:s20+$0x30] =	vst v9  }
0x70: {  	s8 =	simm.s32 $0x197C0;
	s7 =	simm.s32 $0x0;
	v4 =	vld.idx.msk [tilespmem:v8+s5+$0x0], $0xffff;
	[tilespmem:s20+$0xFFFFFFD0] =	vst v10  }
.LBB2_5:
0x71: {  	v6 =	vld [tilespmem:s8+$0x30];
	s7 =	sadd.s32 $0x8, s7;
	[tilespmem:s20+$0xFFFFFFE0] =	vst v5  }
0x72: {  	v5 =	vld [tilespmem:s8+$0xFFFFFFD0];
	p0 =	slt.u32 s7, $0xF8;
	[tilespmem:s20+$0xFFFFFFF0] =	vst v3  }
0x73: {  	v3 =	vld [tilespmem:s8+$0xFFFFFFE0];
	[tilespmem:s20+$0x0] =	vst v0  }
0x74: {  	v0 =	vld [tilespmem:s8+$0xFFFFFFF0];
	[tilespmem:s20+$0x10] =	vst v1  }
0x75: {  	v1 =	vld [tilespmem:s8+$0x0];
	[tilespmem:s20+$0x20] =	vst v2  }
0x76: {  	v2 =	vld [tilespmem:s8+$0x10];
	[tilespmem:s20+$0xFFFFFFC0] =	vst v4  }
0x77: {  	v4 =	vld [tilespmem:s8+$0x20]  }
0x78: {  	v7 =	vld [tilespmem:s8+$0xFFFFFFC0]  }
0x79: {  	v6 =	vld.idx.msk [tilespmem:v6+s5+$0x0], $0xffff  }
0x7a: {  	v8 =	vld.idx.msk [tilespmem:v5+s5+$0x0], $0xffff  }
0x7b: {  	v5 =	vld.idx.msk [tilespmem:v3+s5+$0x0], $0xffff  }
.Ltmp1:
0x7c: {  	v3 =	vld.idx.msk [tilespmem:v0+s5+$0x0], $0xffff;
	(pc) =	sbr.rel @p0 .LBB2_5-.Ltmp1, $4  }
0x7d: {  	v0 =	vld.idx.msk [tilespmem:v1+s5+$0x0], $0xffff  }
0x7e: {  	s20 =	sadd.s32 $0x80, s20;
	v1 =	vld.idx.msk [tilespmem:v2+s5+$0x0], $0xffff  }
0x7f: {  	v2 =	vld.idx.msk [tilespmem:v4+s5+$0x0], $0xffff;
	[tilespmem:s20+$0x30] =	vst v6  }
0x80: {  	s8 =	sadd.s32 $0x80, s8;
	v4 =	vld.idx.msk [tilespmem:v7+s5+$0x0], $0xffff;
	[tilespmem:s20+$0xFFFFFFD0] =	vst v8  }
0x81: {  	[tilespmem:s20+$0xFFFFFFE0] =	vst v5  }
0x82: {  	[tilespmem:s20+$0xFFFFFFF0] =	vst v3  }
0x83: {  	[tilespmem:s20+$0x0] =	vst v0  }
0x84: {  	[tilespmem:s20+$0x10] =	vst v1  }
0x85: {  	s10 =	sadd.s32 $0x5, s18;
	[tilespmem:s20+$0x20] =	vst v2  }
0x86: {  	s7 =	sadd.s32 s19, s11;
	s8 =	sshll.u32 s10, $0x4;
	[tilespmem:s20+$0xFFFFFFC0] =	vst v4  }
0x87: {  	[hbm4b:s7+s21] =	stream.strided.scatter [tilespmem:s3], [sflag:$0x6], $0x1000, s22, s21, $0x38;
	[tilespmem:$0x1E700] =	vst v63  }
0x88: {  	s8 =	sand.u32 $0x50, s8;
	s7 =	sshll.u32 s10, $0x9  }
0x89: {  	s8 =	sadd.s32 s1, s8;
	s7 =	sand.u32 $0xF000, s7  }
0x8a: {  	s7 =	sadd.s32 s7, s8  }
0x8b: {  	[tilespmem:s25], [sflag:$0x2] =	stream.strided.gather [hbm4b:s7+s21], $0x1000, s22, s21, $0x38;
	[tilespmem:$0x1E700] =	vst v63  }
0x8c: {  	_ =	swait.ge [sflag:s0], $0x1000  }
0x8d: {  	[sflag:s0] =	ssyncset.done $0x0  }
0x8e: {  	[sflag:s0] =	ssyncadd.s32 $0xFFFFF000  }
0x8f: {  	_ =	swait.ge [sflag:s6], $0x1000  }
0x90: {  	[sflag:s6] =	ssyncset.done $0x0  }
0x91: {  	s20 =	simm.s32 $0x1A740;
	[sflag:s6] =	ssyncadd.s32 $0xFFFFF000  }
0x92: {  	v0 =	vld [tilespmem:s20+$0x30]  }
0x93: {  	v1 =	vld [tilespmem:s20+$0xFFFFFFD0]  }
0x94: {  	v2 =	vld [tilespmem:s20+$0xFFFFFFE0]  }
0x95: {  	v3 =	vld [tilespmem:s20+$0xFFFFFFF0]  }
0x96: {  	v5 =	vld [tilespmem:s20+$0x0]  }
0x97: {  	v6 =	vld [tilespmem:s20+$0x10]  }
0x98: {  	v7 =	vld [tilespmem:s20+$0x20]  }
0x99: {  	v8 =	vld [tilespmem:s20+$0xFFFFFFC0]  }
0x9a: {  	v9 =	vld.idx.msk [tilespmem:v0+s5+$0x0], $0xffff  }
0x9b: {  	v10 =	vld.idx.msk [tilespmem:v1+s5+$0x0], $0xffff  }
0x9c: {  	v4 =	vld.idx.msk [tilespmem:v2+s5+$0x0], $0xffff  }
0x9d: {  	v3 =	vld.idx.msk [tilespmem:v3+s5+$0x0], $0xffff  }
0x9e: {  	v0 =	vld.idx.msk [tilespmem:v5+s5+$0x0], $0xffff  }
0x9f: {  	s20 =	simm.s32 $0x1C740;
	v1 =	vld.idx.msk [tilespmem:v6+s5+$0x0], $0xffff  }
0xa0: {  	v2 =	vld.idx.msk [tilespmem:v7+s5+$0x0], $0xffff;
	[tilespmem:s20+$0x30] =	vst v9  }
0xa1: {  	s10 =	simm.s32 $0x1A7C0;
	s8 =	simm.s32 $0x0;
	s7 =	sadd.s32 s19, s12;
	v5 =	vld.idx.msk [tilespmem:v8+s5+$0x0], $0xffff;
	[tilespmem:s20+$0xFFFFFFD0] =	vst v10  }
.LBB2_7:
0xa2: {  	v6 =	vld [tilespmem:s10+$0x30];
	s8 =	sadd.s32 $0x8, s8;
	[tilespmem:s20+$0xFFFFFFE0] =	vst v4  }
0xa3: {  	v4 =	vld [tilespmem:s10+$0xFFFFFFD0];
	p0 =	slt.u32 s8, $0xF8;
	[tilespmem:s20+$0xFFFFFFF0] =	vst v3  }
0xa4: {  	v3 =	vld [tilespmem:s10+$0xFFFFFFE0];
	[tilespmem:s20+$0x0] =	vst v0  }
0xa5: {  	v0 =	vld [tilespmem:s10+$0xFFFFFFF0];
	[tilespmem:s20+$0x10] =	vst v1  }
0xa6: {  	v1 =	vld [tilespmem:s10+$0x0];
	[tilespmem:s20+$0x20] =	vst v2  }
0xa7: {  	v2 =	vld [tilespmem:s10+$0x10];
	[tilespmem:s20+$0xFFFFFFC0] =	vst v5  }
0xa8: {  	v5 =	vld [tilespmem:s10+$0x20]  }
0xa9: {  	v7 =	vld [tilespmem:s10+$0xFFFFFFC0]  }
0xaa: {  	v6 =	vld.idx.msk [tilespmem:v6+s5+$0x0], $0xffff  }
0xab: {  	v8 =	vld.idx.msk [tilespmem:v4+s5+$0x0], $0xffff  }
0xac: {  	v4 =	vld.idx.msk [tilespmem:v3+s5+$0x0], $0xffff  }
.Ltmp2:
0xad: {  	v3 =	vld.idx.msk [tilespmem:v0+s5+$0x0], $0xffff;
	(pc) =	sbr.rel @p0 .LBB2_7-.Ltmp2, $4  }
0xae: {  	v0 =	vld.idx.msk [tilespmem:v1+s5+$0x0], $0xffff  }
0xaf: {  	s20 =	sadd.s32 $0x80, s20;
	v1 =	vld.idx.msk [tilespmem:v2+s5+$0x0], $0xffff  }
0xb0: {  	v2 =	vld.idx.msk [tilespmem:v5+s5+$0x0], $0xffff;
	[tilespmem:s20+$0x30] =	vst v6  }
0xb1: {  	s10 =	sadd.s32 $0x80, s10;
	v5 =	vld.idx.msk [tilespmem:v7+s5+$0x0], $0xffff;
	[tilespmem:s20+$0xFFFFFFD0] =	vst v8  }
0xb2: {  	[tilespmem:s20+$0xFFFFFFE0] =	vst v4  }
0xb3: {  	[tilespmem:s20+$0xFFFFFFF0] =	vst v3  }
0xb4: {  	[tilespmem:s20+$0x0] =	vst v0  }
0xb5: {  	[tilespmem:s20+$0x10] =	vst v1  }
0xb6: {  	[tilespmem:s20+$0x20] =	vst v2  }
0xb7: {  	p0 =	seq.s32 s17, $0xB;
	[tilespmem:s20+$0xFFFFFFC0] =	vst v5  }
0xb8: {  	[hbm4b:s7+s21] =	stream.strided.scatter [tilespmem:s30], [sflag:$0x5], $0x1000, s22, s21, $0x38;
	[tilespmem:$0x1E700] =	vst v63  }
0xb9: {  	s7 =	sadd.s32 @!p0 $0x6, s18  }
0xba: {  	s8 =	sshll.u32 @!p0 s7, $0x4  }
0xbb: {  	s7 =	sshll.u32 @!p0 s7, $0x9;
	s8 =	sand.u32 @!p0 $0x60, s8  }
0xbc: {  	s10 =	simm.s32 @!p0 $0x400;
	s7 =	sand.u32 @!p0 $0xF000, s7;
	s8 =	sadd.s32 @!p0 s1, s8  }
0xbd: {  	s20 =	simm.s32 @!p0 $0x1A700;
	s7 =	sadd.s32 @!p0 s7, s8;
	s8 =	simm.s32 @!p0 $0x80  }
0xbe: {  	[tilespmem:s20], [sflag:$0x3] =	stream.strided.gather @!p0 [hbm4b:s7+s8], $0x1000, s10, s8, $0x38;
	[tilespmem:$0x1E700] =	vst v63  }
0xbf: {  	_ =	swait.ge [sflag:s14], $0x1000  }
0xc0: {  	[sflag:s14] =	ssyncset.done $0x0  }
0xc1: {  	[sflag:s14] =	ssyncadd.s32 $0xFFFFF000  }
0xc2: {  	_ =	swait.ge [sflag:s26], $0x1000  }
0xc3: {  	[sflag:s26] =	ssyncset.done $0x0  }
0xc4: {  	s20 =	simm.s32 $0x1B740;
	[sflag:s26] =	ssyncadd.s32 $0xFFFFF000  }
0xc5: {  	v0 =	vld [tilespmem:s20+$0x30]  }
0xc6: {  	v1 =	vld [tilespmem:s20+$0xFFFFFFD0]  }
0xc7: {  	v2 =	vld [tilespmem:s20+$0xFFFFFFE0]  }
0xc8: {  	v3 =	vld [tilespmem:s20+$0xFFFFFFF0]  }
0xc9: {  	v5 =	vld [tilespmem:s20+$0x0]  }
0xca: {  	v6 =	vld [tilespmem:s20+$0x10]  }
0xcb: {  	v7 =	vld [tilespmem:s20+$0x20]  }
0xcc: {  	v8 =	vld [tilespmem:s20+$0xFFFFFFC0]  }
0xcd: {  	v9 =	vld.idx.msk [tilespmem:v0+s5+$0x0], $0xffff  }
0xce: {  	v10 =	vld.idx.msk [tilespmem:v1+s5+$0x0], $0xffff  }
0xcf: {  	v4 =	vld.idx.msk [tilespmem:v2+s5+$0x0], $0xffff  }
0xd0: {  	v3 =	vld.idx.msk [tilespmem:v3+s5+$0x0], $0xffff  }
0xd1: {  	v0 =	vld.idx.msk [tilespmem:v5+s5+$0x0], $0xffff  }
0xd2: {  	s20 =	simm.s32 $0x1D740;
	v1 =	vld.idx.msk [tilespmem:v6+s5+$0x0], $0xffff  }
0xd3: {  	v2 =	vld.idx.msk [tilespmem:v7+s5+$0x0], $0xffff;
	[tilespmem:s20+$0x30] =	vst v9  }
0xd4: {  	s7 =	sadd.s32 s19, s13;
	s8 =	simm.s32 $0x0;
	s10 =	simm.s32 $0x1B7C0;
	v5 =	vld.idx.msk [tilespmem:v8+s5+$0x0], $0xffff;
	[tilespmem:s20+$0xFFFFFFD0] =	vst v10  }
.LBB2_9:
0xd5: {  	v6 =	vld [tilespmem:s10+$0x30];
	s8 =	sadd.s32 $0x8, s8;
	[tilespmem:s20+$0xFFFFFFE0] =	vst v4  }
0xd6: {  	v4 =	vld [tilespmem:s10+$0xFFFFFFD0];
	p1 =	slt.u32 s8, $0xF8;
	[tilespmem:s20+$0xFFFFFFF0] =	vst v3  }
0xd7: {  	v3 =	vld [tilespmem:s10+$0xFFFFFFE0];
	[tilespmem:s20+$0x0] =	vst v0  }
0xd8: {  	v0 =	vld [tilespmem:s10+$0xFFFFFFF0];
	[tilespmem:s20+$0x10] =	vst v1  }
0xd9: {  	v1 =	vld [tilespmem:s10+$0x0];
	[tilespmem:s20+$0x20] =	vst v2  }
0xda: {  	v2 =	vld [tilespmem:s10+$0x10];
	[tilespmem:s20+$0xFFFFFFC0] =	vst v5  }
0xdb: {  	v5 =	vld [tilespmem:s10+$0x20]  }
0xdc: {  	v7 =	vld [tilespmem:s10+$0xFFFFFFC0]  }
0xdd: {  	v6 =	vld.idx.msk [tilespmem:v6+s5+$0x0], $0xffff  }
0xde: {  	v8 =	vld.idx.msk [tilespmem:v4+s5+$0x0], $0xffff  }
0xdf: {  	v4 =	vld.idx.msk [tilespmem:v3+s5+$0x0], $0xffff  }
.Ltmp3:
0xe0: {  	v3 =	vld.idx.msk [tilespmem:v0+s5+$0x0], $0xffff;
	(pc) =	sbr.rel @p1 .LBB2_9-.Ltmp3, $4  }
0xe1: {  	v0 =	vld.idx.msk [tilespmem:v1+s5+$0x0], $0xffff  }
0xe2: {  	s20 =	sadd.s32 $0x80, s20;
	v1 =	vld.idx.msk [tilespmem:v2+s5+$0x0], $0xffff  }
0xe3: {  	v2 =	vld.idx.msk [tilespmem:v5+s5+$0x0], $0xffff;
	[tilespmem:s20+$0x30] =	vst v6  }
0xe4: {  	s10 =	sadd.s32 $0x80, s10;
	v5 =	vld.idx.msk [tilespmem:v7+s5+$0x0], $0xffff;
	[tilespmem:s20+$0xFFFFFFD0] =	vst v8  }
0xe5: {  	[tilespmem:s20+$0xFFFFFFE0] =	vst v4  }
0xe6: {  	[tilespmem:s20+$0xFFFFFFF0] =	vst v3  }
.Ltmp4:
0xe7: {  	[tilespmem:s20+$0x0] =	vst v0;
	(pc) =	sbr.rel @p0 .LBB2_12-.Ltmp4, $4  }
0xe8: {  	[tilespmem:s20+$0x10] =	vst v1  }
0xe9: {  	[tilespmem:s20+$0x20] =	vst v2  }
0xea: {  	[tilespmem:s20+$0xFFFFFFC0] =	vst v5  }
0xeb: {  	[hbm4b:s7+s21] =	stream.strided.scatter [tilespmem:s3], [sflag:$0x6], $0x1000, s22, s21, $0x38;
	[tilespmem:$0x1E700] =	vst v63  }
0xec: {  	s7 =	sadd.s32 $0x7, s18  }
.Ltmp5:
0xed: {  	s8 =	sshll.u32 s7, $0x4;
	(pc) =	sbr.rel .LBB2_2-.Ltmp5, $4  }
0xee: {  	s7 =	sshll.u32 s7, $0x9;
	s8 =	sand.u32 $0x70, s8  }
0xef: {  	s7 =	sand.u32 $0xF000, s7;
	s8 =	sadd.s32 s1, s8  }
0xf0: {  	s17 =	sadd.s32 $0x1, s17;
	s7 =	sadd.s32 s7, s8  }
0xf1: {  	[tilespmem:s28], [sflag:$0x4] =	stream.strided.gather [hbm4b:s7+s21], $0x1000, s22, s21, $0x38;
	[tilespmem:$0x1E700] =	vst v63  }
.LBB2_12:
0xf2: {  	_ =	swait.ge [sflag:s0], $0x1000  }
0xf3: {  	[sflag:s0] =	ssyncset.done $0x0  }
0xf4: {  	[sflag:s0] =	ssyncadd.s32 $0xFFFFF000  }
0xf5: {  	_ =	swait.ge [sflag:s29], $0x1000  }
0xf6: {  	[sflag:s29] =	ssyncset.done $0x0  }
0xf7: {  	s7 =	simm.s32 $0x18740;
	[sflag:s29] =	ssyncadd.s32 $0xFFFFF000  }
0xf8: {  	v0 =	vld [tilespmem:s7+$0x30]  }
0xf9: {  	v1 =	vld [tilespmem:s7+$0xFFFFFFD0]  }
0xfa: {  	v2 =	vld [tilespmem:s7+$0xFFFFFFE0]  }
0xfb: {  	v3 =	vld [tilespmem:s7+$0xFFFFFFF0]  }
0xfc: {  	v4 =	vld [tilespmem:s7+$0x0]  }
0xfd: {  	v6 =	vld [tilespmem:s7+$0x10]  }
0xfe: {  	v7 =	vld [tilespmem:s7+$0x20]  }
0xff: {  	v8 =	vld [tilespmem:s7+$0xFFFFFFC0]  }
0x100: {  	v9 =	vld.idx.msk [tilespmem:v0+s5+$0x0], $0xffff  }
0x101: {  	v10 =	vld.idx.msk [tilespmem:v1+s5+$0x0], $0xffff  }
0x102: {  	v5 =	vld.idx.msk [tilespmem:v2+s5+$0x0], $0xffff  }
0x103: {  	v3 =	vld.idx.msk [tilespmem:v3+s5+$0x0], $0xffff  }
0x104: {  	v0 =	vld.idx.msk [tilespmem:v4+s5+$0x0], $0xffff  }
0x105: {  	s17 =	simm.s32 $0x1C740;
	v1 =	vld.idx.msk [tilespmem:v6+s5+$0x0], $0xffff  }
0x106: {  	v2 =	vld.idx.msk [tilespmem:v7+s5+$0x0], $0xffff;
	[tilespmem:s17+$0x30] =	vst v9  }
0x107: {  	s8 =	simm.s32 $0x187C0;
	s7 =	simm.s32 $0x0;
	v4 =	vld.idx.msk [tilespmem:v8+s5+$0x0], $0xffff;
	[tilespmem:s17+$0xFFFFFFD0] =	vst v10  }
.LBB2_13:
0x108: {  	v6 =	vld [tilespmem:s8+$0x30];
	s7 =	sadd.s32 $0x8, s7;
	[tilespmem:s17+$0xFFFFFFE0] =	vst v5  }
0x109: {  	v5 =	vld [tilespmem:s8+$0xFFFFFFD0];
	p0 =	slt.u32 s7, $0xF8;
	[tilespmem:s17+$0xFFFFFFF0] =	vst v3  }
0x10a: {  	v3 =	vld [tilespmem:s8+$0xFFFFFFE0];
	[tilespmem:s17+$0x0] =	vst v0  }
0x10b: {  	v0 =	vld [tilespmem:s8+$0xFFFFFFF0];
	[tilespmem:s17+$0x10] =	vst v1  }
0x10c: {  	v1 =	vld [tilespmem:s8+$0x0];
	[tilespmem:s17+$0x20] =	vst v2  }
0x10d: {  	v2 =	vld [tilespmem:s8+$0x10];
	[tilespmem:s17+$0xFFFFFFC0] =	vst v4  }
0x10e: {  	v4 =	vld [tilespmem:s8+$0x20]  }
0x10f: {  	v7 =	vld [tilespmem:s8+$0xFFFFFFC0]  }
0x110: {  	v6 =	vld.idx.msk [tilespmem:v6+s5+$0x0], $0xffff  }
0x111: {  	v8 =	vld.idx.msk [tilespmem:v5+s5+$0x0], $0xffff  }
0x112: {  	v5 =	vld.idx.msk [tilespmem:v3+s5+$0x0], $0xffff  }
.Ltmp6:
0x113: {  	v3 =	vld.idx.msk [tilespmem:v0+s5+$0x0], $0xffff;
	(pc) =	sbr.rel @p0 .LBB2_13-.Ltmp6, $4  }
0x114: {  	v0 =	vld.idx.msk [tilespmem:v1+s5+$0x0], $0xffff  }
0x115: {  	s17 =	sadd.s32 $0x80, s17;
	v1 =	vld.idx.msk [tilespmem:v2+s5+$0x0], $0xffff  }
0x116: {  	v2 =	vld.idx.msk [tilespmem:v4+s5+$0x0], $0xffff;
	[tilespmem:s17+$0x30] =	vst v6  }
0x117: {  	s8 =	sadd.s32 $0x80, s8;
	v4 =	vld.idx.msk [tilespmem:v7+s5+$0x0], $0xffff;
	[tilespmem:s17+$0xFFFFFFD0] =	vst v8  }
0x118: {  	[tilespmem:s17+$0xFFFFFFE0] =	vst v5  }
0x119: {  	[tilespmem:s17+$0xFFFFFFF0] =	vst v3  }
0x11a: {  	[tilespmem:s17+$0x0] =	vst v0  }
0x11b: {  	[tilespmem:s17+$0x10] =	vst v1  }
0x11c: {  	[tilespmem:s17+$0x20] =	vst v2  }
0x11d: {  	[tilespmem:s17+$0xFFFFFFC0] =	vst v4  }
0x11e: {  	s7 =	rddreg [dreg:$0x8]  }
0x11f: {  	[hbm4b:s7+s21] =	stream.strided.scatter [tilespmem:s30], [sflag:$0x5], $0x1000, s22, s21, $0x38;
	[tilespmem:$0x1E700] =	vst v63  }
0x120: {  	_ =	swait.ge [sflag:s14], $0x1000  }
0x121: {  	[sflag:s14] =	ssyncset.done $0x0  }
0x122: {  	[sflag:s14] =	ssyncadd.s32 $0xFFFFF000  }
0x123: {  	_ =	swait.ge [sflag:s31], $0x1000  }
0x124: {  	[sflag:s31] =	ssyncset.done $0x0  }
0x125: {  	s20 =	simm.s32 $0x19740;
	[sflag:s31] =	ssyncadd.s32 $0xFFFFF000  }
0x126: {  	v0 =	vld [tilespmem:s20+$0x30]  }
0x127: {  	v1 =	vld [tilespmem:s20+$0xFFFFFFD0]  }
0x128: {  	v2 =	vld [tilespmem:s20+$0xFFFFFFE0]  }
0x129: {  	v3 =	vld [tilespmem:s20+$0xFFFFFFF0]  }
0x12a: {  	v4 =	vld [tilespmem:s20+$0x0]  }
0x12b: {  	v6 =	vld [tilespmem:s20+$0x10]  }
0x12c: {  	v7 =	vld [tilespmem:s20+$0x20]  }
0x12d: {  	v8 =	vld [tilespmem:s20+$0xFFFFFFC0]  }
0x12e: {  	v9 =	vld.idx.msk [tilespmem:v0+s5+$0x0], $0xffff  }
0x12f: {  	v10 =	vld.idx.msk [tilespmem:v1+s5+$0x0], $0xffff  }
0x130: {  	v5 =	vld.idx.msk [tilespmem:v2+s5+$0x0], $0xffff  }
0x131: {  	v3 =	vld.idx.msk [tilespmem:v3+s5+$0x0], $0xffff  }
0x132: {  	v0 =	vld.idx.msk [tilespmem:v4+s5+$0x0], $0xffff  }
0x133: {  	s17 =	simm.s32 $0x1D740;
	v1 =	vld.idx.msk [tilespmem:v6+s5+$0x0], $0xffff  }
0x134: {  	v2 =	vld.idx.msk [tilespmem:v7+s5+$0x0], $0xffff;
	[tilespmem:s17+$0x30] =	vst v9  }
0x135: {  	s8 =	simm.s32 $0x197C0;
	s7 =	simm.s32 $0x0;
	v4 =	vld.idx.msk [tilespmem:v8+s5+$0x0], $0xffff;
	[tilespmem:s17+$0xFFFFFFD0] =	vst v10  }
.LBB2_15:
0x136: {  	v6 =	vld [tilespmem:s8+$0x30];
	s7 =	sadd.s32 $0x8, s7;
	[tilespmem:s17+$0xFFFFFFE0] =	vst v5  }
0x137: {  	v5 =	vld [tilespmem:s8+$0xFFFFFFD0];
	p0 =	slt.u32 s7, $0xF8;
	[tilespmem:s17+$0xFFFFFFF0] =	vst v3  }
0x138: {  	v3 =	vld [tilespmem:s8+$0xFFFFFFE0];
	[tilespmem:s17+$0x0] =	vst v0  }
0x139: {  	v0 =	vld [tilespmem:s8+$0xFFFFFFF0];
	[tilespmem:s17+$0x10] =	vst v1  }
0x13a: {  	v1 =	vld [tilespmem:s8+$0x0];
	[tilespmem:s17+$0x20] =	vst v2  }
0x13b: {  	v2 =	vld [tilespmem:s8+$0x10];
	[tilespmem:s17+$0xFFFFFFC0] =	vst v4  }
0x13c: {  	v4 =	vld [tilespmem:s8+$0x20]  }
0x13d: {  	v7 =	vld [tilespmem:s8+$0xFFFFFFC0]  }
0x13e: {  	v6 =	vld.idx.msk [tilespmem:v6+s5+$0x0], $0xffff  }
0x13f: {  	v8 =	vld.idx.msk [tilespmem:v5+s5+$0x0], $0xffff  }
0x140: {  	v5 =	vld.idx.msk [tilespmem:v3+s5+$0x0], $0xffff  }
.Ltmp7:
0x141: {  	v3 =	vld.idx.msk [tilespmem:v0+s5+$0x0], $0xffff;
	(pc) =	sbr.rel @p0 .LBB2_15-.Ltmp7, $4  }
0x142: {  	v0 =	vld.idx.msk [tilespmem:v1+s5+$0x0], $0xffff  }
0x143: {  	s17 =	sadd.s32 $0x80, s17;
	v1 =	vld.idx.msk [tilespmem:v2+s5+$0x0], $0xffff  }
0x144: {  	v2 =	vld.idx.msk [tilespmem:v4+s5+$0x0], $0xffff;
	[tilespmem:s17+$0x30] =	vst v6  }
0x145: {  	s8 =	sadd.s32 $0x80, s8;
	v4 =	vld.idx.msk [tilespmem:v7+s5+$0x0], $0xffff;
	[tilespmem:s17+$0xFFFFFFD0] =	vst v8  }
0x146: {  	[tilespmem:s17+$0xFFFFFFE0] =	vst v5  }
0x147: {  	[tilespmem:s17+$0xFFFFFFF0] =	vst v3  }
0x148: {  	[tilespmem:s17+$0x0] =	vst v0  }
0x149: {  	[tilespmem:s17+$0x10] =	vst v1  }
0x14a: {  	[tilespmem:s17+$0x20] =	vst v2  }
0x14b: {  	[tilespmem:s17+$0xFFFFFFC0] =	vst v4  }
0x14c: {  	s7 =	rddreg [dreg:$0x9]  }
0x14d: {  	[hbm4b:s7+s21] =	stream.strided.scatter [tilespmem:s3], [sflag:$0x6], $0x1000, s22, s21, $0x38;
	[tilespmem:$0x1E700] =	vst v63  }
0x14e: {  	_ =	swait.ge [sflag:s0], $0x1000  }
0x14f: {  	[sflag:s0] =	ssyncset.done $0x0  }
0x150: {  	[sflag:s0] =	ssyncadd.s32 $0xFFFFF000  }
0x151: {  	_ =	swait.ge [sflag:s14], $0x1000  }
0x152: {  	[sflag:s14] =	ssyncset.done $0x0  }
0x153: {  	s17 =	simm.s32 $0x0;
	s10 =	rddreg [dreg:$0xa];
	[sflag:s14] =	ssyncadd.s32 $0xFFFFF000  }
0x154: {  	[tilespmem:s17], [sflag:$0x7] =	stream.strided.gather [hbm4b:s10+s21], $0x18700, s22, s21, $0x38;
	[tilespmem:$0x1E700] =	vst v63  }
0x155: {  	_ =	swait.ge [sflag:s23], $0x18700  }
0x156: {  	[sflag:s23] =	ssyncset.done $0x0  }
0x157: {  	[sflag:s23] =	ssyncadd.s32 $0xFFFE7900  }
0x158: {  	[tilespmem:s24], [sflag:$0x1] =	stream.strided.gather [hbm4b:s1+s21], $0x1000, s22, s21, $0x38;
	[tilespmem:$0x1E700] =	vst v63  }
0x159: {  	s18 =	rddreg [dreg:$0x5]  }
0x15a: {  	[tilespmem:s25], [sflag:$0x2] =	stream.strided.gather [hbm4b:s18+s21], $0x1000, s22, s21, $0x38;
	[tilespmem:$0x1E700] =	vst v63  }
0x15b: {  	s8 =	simm.s32 $0x1A700;
	s19 =	rddreg [dreg:$0x6]  }
0x15c: {  	[tilespmem:s8], [sflag:$0x3] =	stream.strided.gather [hbm4b:s19+s21], $0x1000, s22, s21, $0x38;
	[tilespmem:$0x1E700] =	vst v63  }
0x15d: {  	s20 =	rddreg [dreg:$0x7]  }
0x15e: {  	[tilespmem:s28], [sflag:$0x4] =	stream.strided.gather [hbm4b:s20+s21], $0x1000, s22, s21, $0x38;
	[tilespmem:$0x1E700] =	vst v63  }
.LBB2_17:
0x15f: {  	p0 =	seq.s32 s17, $0x0  }
0x160: {  	s7 =	simm.s32 @!p0 $0x5  }
0x161: {  	_ =	swait.ge @!p0 [sflag:s7], $0x1000  }
0x162: {  	[sflag:s7] =	ssyncset.done @!p0 $0x0  }
0x163: {  	[sflag:s7] =	ssyncadd.s32 @!p0 $0xFFFFF000  }
0x164: {  	_ =	swait.ge [sflag:s29], $0x1000  }
0x165: {  	[sflag:s29] =	ssyncset.done $0x0  }
0x166: {  	s20 =	simm.s32 $0x18740;
	[sflag:s29] =	ssyncadd.s32 $0xFFFFF000  }
0x167: {  	v0 =	vld [tilespmem:s20+$0x30]  }
0x168: {  	v1 =	vld [tilespmem:s20+$0xFFFFFFD0]  }
0x169: {  	v2 =	vld [tilespmem:s20+$0xFFFFFFE0]  }
0x16a: {  	v3 =	vld [tilespmem:s20+$0xFFFFFFF0]  }
0x16b: {  	v6 =	vld [tilespmem:s20+$0x0]  }
0x16c: {  	v7 =	vld [tilespmem:s20+$0x10]  }
0x16d: {  	v8 =	vld [tilespmem:s20+$0x20]  }
0x16e: {  	v9 =	vld [tilespmem:s20+$0xFFFFFFC0]  }
0x16f: {  	v10 =	vld.idx.msk [tilespmem:v0+s5+$0x0], $0xffff  }
0x170: {  	v11 =	vld.idx.msk [tilespmem:v1+s5+$0x0], $0xffff  }
0x171: {  	v5 =	vld.idx.msk [tilespmem:v2+s5+$0x0], $0xffff  }
0x172: {  	v4 =	vld.idx.msk [tilespmem:v3+s5+$0x0], $0xffff  }
0x173: {  	v2 =	vld.idx.msk [tilespmem:v6+s5+$0x0], $0xffff  }
0x174: {  	s20 =	simm.s32 $0x1C740;
	v1 =	vld.idx.msk [tilespmem:v7+s5+$0x0], $0xffff  }
0x175: {  	v0 =	vld.idx.msk [tilespmem:v8+s5+$0x0], $0xffff;
	[tilespmem:s20+$0x30] =	vst v10  }
0x176: {  	s18 =	sshll.u32 s17, $0x2;
	s8 =	simm.s32 $0x187C0;
	s7 =	simm.s32 $0x0;
	v3 =	vld.idx.msk [tilespmem:v9+s5+$0x0], $0xffff;
	[tilespmem:s20+$0xFFFFFFD0] =	vst v11  }
.LBB2_18:
0x177: {  	v6 =	vld [tilespmem:s8+$0x30];
	s7 =	sadd.s32 $0x8, s7;
	[tilespmem:s20+$0xFFFFFFE0] =	vst v5  }
0x178: {  	v5 =	vld [tilespmem:s8+$0xFFFFFFD0];
	p1 =	slt.u32 s7, $0xF8;
	[tilespmem:s20+$0xFFFFFFF0] =	vst v4  }
0x179: {  	v4 =	vld [tilespmem:s8+$0xFFFFFFE0];
	[tilespmem:s20+$0x0] =	vst v2  }
0x17a: {  	v2 =	vld [tilespmem:s8+$0xFFFFFFF0];
	[tilespmem:s20+$0x10] =	vst v1  }
0x17b: {  	v1 =	vld [tilespmem:s8+$0x0];
	[tilespmem:s20+$0x20] =	vst v0  }
0x17c: {  	v0 =	vld [tilespmem:s8+$0x10];
	[tilespmem:s20+$0xFFFFFFC0] =	vst v3  }
0x17d: {  	v3 =	vld [tilespmem:s8+$0x20]  }
0x17e: {  	v7 =	vld [tilespmem:s8+$0xFFFFFFC0]  }
0x17f: {  	v6 =	vld.idx.msk [tilespmem:v6+s5+$0x0], $0xffff  }
0x180: {  	v8 =	vld.idx.msk [tilespmem:v5+s5+$0x0], $0xffff  }
0x181: {  	v5 =	vld.idx.msk [tilespmem:v4+s5+$0x0], $0xffff  }
.Ltmp8:
0x182: {  	v4 =	vld.idx.msk [tilespmem:v2+s5+$0x0], $0xffff;
	(pc) =	sbr.rel @p1 .LBB2_18-.Ltmp8, $4  }
0x183: {  	v2 =	vld.idx.msk [tilespmem:v1+s5+$0x0], $0xffff  }
0x184: {  	s20 =	sadd.s32 $0x80, s20;
	v1 =	vld.idx.msk [tilespmem:v0+s5+$0x0], $0xffff  }
0x185: {  	v0 =	vld.idx.msk [tilespmem:v3+s5+$0x0], $0xffff;
	[tilespmem:s20+$0x30] =	vst v6  }
0x186: {  	s8 =	sadd.s32 $0x80, s8;
	v3 =	vld.idx.msk [tilespmem:v7+s5+$0x0], $0xffff;
	[tilespmem:s20+$0xFFFFFFD0] =	vst v8  }
0x187: {  	[tilespmem:s20+$0xFFFFFFE0] =	vst v5  }
0x188: {  	[tilespmem:s20+$0xFFFFFFF0] =	vst v4;
	s7 =	sshll.u32 s17, $0x14  }
0x189: {  	[tilespmem:s20+$0x0] =	vst v2;
	s7 =	sor.u32 s7, s15  }
0x18a: {  	[tilespmem:s20+$0x10] =	vst v1;
	s7 =	sor.u32 s9, s7  }
0x18b: {  	s10 =	sadd.s32 $0x4, s18;
	[tilespmem:s20+$0x20] =	vst v0;
	s19 =	sshrl.u32 s7, $0x3  }
0x18c: {  	s8 =	sshll.u32 s10, $0x4;
	[tilespmem:s20+$0xFFFFFFC0] =	vst v3;
	s7 =	sadd.s32 s2, s19  }
0x18d: {  	[hbm4b:s7+s21] =	stream.strided.scatter [tilespmem:s30], [sflag:$0x5], $0x1000, s22, s21, $0x38;
	[tilespmem:$0x1E700] =	vst v63  }
0x18e: {  	s8 =	sand.u32 $0x40, s8;
	s7 =	sshll.u32 s10, $0x9  }
0x18f: {  	s8 =	sadd.s32 s1, s8;
	s7 =	sand.u32 $0xF000, s7  }
0x190: {  	s7 =	sadd.s32 s7, s8  }
0x191: {  	[tilespmem:s24], [sflag:$0x1] =	stream.strided.gather [hbm4b:s7+s21], $0x1000, s22, s21, $0x38;
	[tilespmem:$0x1E700] =	vst v63  }
0x192: {  	s7 =	simm.s32 @!p0 $0x6  }
0x193: {  	_ =	swait.ge @!p0 [sflag:s7], $0x1000  }
0x194: {  	[sflag:s7] =	ssyncset.done @!p0 $0x0  }
0x195: {  	[sflag:s7] =	ssyncadd.s32 @!p0 $0xFFFFF000  }
0x196: {  	_ =	swait.ge [sflag:s31], $0x1000  }
0x197: {  	[sflag:s31] =	ssyncset.done $0x0  }
0x198: {  	s20 =	simm.s32 $0x19740;
	[sflag:s31] =	ssyncadd.s32 $0xFFFFF000  }
0x199: {  	v0 =	vld [tilespmem:s20+$0x30]  }
0x19a: {  	v1 =	vld [tilespmem:s20+$0xFFFFFFD0]  }
0x19b: {  	v2 =	vld [tilespmem:s20+$0xFFFFFFE0]  }
0x19c: {  	v3 =	vld [tilespmem:s20+$0xFFFFFFF0]  }
0x19d: {  	v4 =	vld [tilespmem:s20+$0x0]  }
0x19e: {  	v6 =	vld [tilespmem:s20+$0x10]  }
0x19f: {  	v7 =	vld [tilespmem:s20+$0x20]  }
0x1a0: {  	v8 =	vld [tilespmem:s20+$0xFFFFFFC0]  }
0x1a1: {  	v9 =	vld.idx.msk [tilespmem:v0+s5+$0x0], $0xffff  }
0x1a2: {  	v10 =	vld.idx.msk [tilespmem:v1+s5+$0x0], $0xffff  }
0x1a3: {  	v5 =	vld.idx.msk [tilespmem:v2+s5+$0x0], $0xffff  }
0x1a4: {  	v3 =	vld.idx.msk [tilespmem:v3+s5+$0x0], $0xffff  }
0x1a5: {  	v0 =	vld.idx.msk [tilespmem:v4+s5+$0x0], $0xffff  }
0x1a6: {  	s20 =	simm.s32 $0x1D740;
	v1 =	vld.idx.msk [tilespmem:v6+s5+$0x0], $0xffff  }
0x1a7: {  	v2 =	vld.idx.msk [tilespmem:v7+s5+$0x0], $0xffff;
	[tilespmem:s20+$0x30] =	vst v9  }
0x1a8: {  	s8 =	simm.s32 $0x197C0;
	s7 =	simm.s32 $0x0;
	v4 =	vld.idx.msk [tilespmem:v8+s5+$0x0], $0xffff;
	[tilespmem:s20+$0xFFFFFFD0] =	vst v10  }
.LBB2_20:
0x1a9: {  	v6 =	vld [tilespmem:s8+$0x30];
	s7 =	sadd.s32 $0x8, s7;
	[tilespmem:s20+$0xFFFFFFE0] =	vst v5  }
0x1aa: {  	v5 =	vld [tilespmem:s8+$0xFFFFFFD0];
	p0 =	slt.u32 s7, $0xF8;
	[tilespmem:s20+$0xFFFFFFF0] =	vst v3  }
0x1ab: {  	v3 =	vld [tilespmem:s8+$0xFFFFFFE0];
	[tilespmem:s20+$0x0] =	vst v0  }
0x1ac: {  	v0 =	vld [tilespmem:s8+$0xFFFFFFF0];
	[tilespmem:s20+$0x10] =	vst v1  }
0x1ad: {  	v1 =	vld [tilespmem:s8+$0x0];
	[tilespmem:s20+$0x20] =	vst v2  }
0x1ae: {  	v2 =	vld [tilespmem:s8+$0x10];
	[tilespmem:s20+$0xFFFFFFC0] =	vst v4  }
0x1af: {  	v4 =	vld [tilespmem:s8+$0x20]  }
0x1b0: {  	v7 =	vld [tilespmem:s8+$0xFFFFFFC0]  }
0x1b1: {  	v6 =	vld.idx.msk [tilespmem:v6+s5+$0x0], $0xffff  }
0x1b2: {  	v8 =	vld.idx.msk [tilespmem:v5+s5+$0x0], $0xffff  }
0x1b3: {  	v5 =	vld.idx.msk [tilespmem:v3+s5+$0x0], $0xffff  }
.Ltmp9:
0x1b4: {  	v3 =	vld.idx.msk [tilespmem:v0+s5+$0x0], $0xffff;
	(pc) =	sbr.rel @p0 .LBB2_20-.Ltmp9, $4  }
0x1b5: {  	v0 =	vld.idx.msk [tilespmem:v1+s5+$0x0], $0xffff  }
0x1b6: {  	s20 =	sadd.s32 $0x80, s20;
	v1 =	vld.idx.msk [tilespmem:v2+s5+$0x0], $0xffff  }
0x1b7: {  	v2 =	vld.idx.msk [tilespmem:v4+s5+$0x0], $0xffff;
	[tilespmem:s20+$0x30] =	vst v6  }
0x1b8: {  	s8 =	sadd.s32 $0x80, s8;
	v4 =	vld.idx.msk [tilespmem:v7+s5+$0x0], $0xffff;
	[tilespmem:s20+$0xFFFFFFD0] =	vst v8  }
0x1b9: {  	[tilespmem:s20+$0xFFFFFFE0] =	vst v5  }
0x1ba: {  	[tilespmem:s20+$0xFFFFFFF0] =	vst v3  }
0x1bb: {  	[tilespmem:s20+$0x0] =	vst v0  }
0x1bc: {  	[tilespmem:s20+$0x10] =	vst v1  }
0x1bd: {  	s10 =	sadd.s32 $0x5, s18;
	[tilespmem:s20+$0x20] =	vst v2  }
0x1be: {  	s7 =	sadd.s32 s19, s11;
	s8 =	sshll.u32 s10, $0x4;
	[tilespmem:s20+$0xFFFFFFC0] =	vst v4  }
0x1bf: {  	[hbm4b:s7+s21] =	stream.strided.scatter [tilespmem:s3], [sflag:$0x6], $0x1000, s22, s21, $0x38;
	[tilespmem:$0x1E700] =	vst v63  }
0x1c0: {  	s8 =	sand.u32 $0x50, s8;
	s7 =	sshll.u32 s10, $0x9  }
0x1c1: {  	s8 =	sadd.s32 s1, s8;
	s7 =	sand.u32 $0xF000, s7  }
0x1c2: {  	s7 =	sadd.s32 s7, s8  }
0x1c3: {  	[tilespmem:s25], [sflag:$0x2] =	stream.strided.gather [hbm4b:s7+s21], $0x1000, s22, s21, $0x38;
	[tilespmem:$0x1E700] =	vst v63  }
0x1c4: {  	_ =	swait.ge [sflag:s0], $0x1000  }
0x1c5: {  	[sflag:s0] =	ssyncset.done $0x0  }
0x1c6: {  	[sflag:s0] =	ssyncadd.s32 $0xFFFFF000  }
0x1c7: {  	_ =	swait.ge [sflag:s6], $0x1000  }
0x1c8: {  	[sflag:s6] =	ssyncset.done $0x0  }
0x1c9: {  	s20 =	simm.s32 $0x1A740;
	[sflag:s6] =	ssyncadd.s32 $0xFFFFF000  }
0x1ca: {  	v0 =	vld [tilespmem:s20+$0x30]  }
0x1cb: {  	v1 =	vld [tilespmem:s20+$0xFFFFFFD0]  }
0x1cc: {  	v2 =	vld [tilespmem:s20+$0xFFFFFFE0]  }
0x1cd: {  	v3 =	vld [tilespmem:s20+$0xFFFFFFF0]  }
0x1ce: {  	v5 =	vld [tilespmem:s20+$0x0]  }
0x1cf: {  	v6 =	vld [tilespmem:s20+$0x10]  }
0x1d0: {  	v7 =	vld [tilespmem:s20+$0x20]  }
0x1d1: {  	v8 =	vld [tilespmem:s20+$0xFFFFFFC0]  }
0x1d2: {  	v9 =	vld.idx.msk [tilespmem:v0+s5+$0x0], $0xffff  }
0x1d3: {  	v10 =	vld.idx.msk [tilespmem:v1+s5+$0x0], $0xffff  }
0x1d4: {  	v4 =	vld.idx.msk [tilespmem:v2+s5+$0x0], $0xffff  }
0x1d5: {  	v3 =	vld.idx.msk [tilespmem:v3+s5+$0x0], $0xffff  }
0x1d6: {  	v0 =	vld.idx.msk [tilespmem:v5+s5+$0x0], $0xffff  }
0x1d7: {  	s20 =	simm.s32 $0x1C740;
	v1 =	vld.idx.msk [tilespmem:v6+s5+$0x0], $0xffff  }
0x1d8: {  	v2 =	vld.idx.msk [tilespmem:v7+s5+$0x0], $0xffff;
	[tilespmem:s20+$0x30] =	vst v9  }
0x1d9: {  	s10 =	simm.s32 $0x1A7C0;
	s8 =	simm.s32 $0x0;
	s7 =	sadd.s32 s19, s12;
	v5 =	vld.idx.msk [tilespmem:v8+s5+$0x0], $0xffff;
	[tilespmem:s20+$0xFFFFFFD0] =	vst v10  }
.LBB2_22:
0x1da: {  	v6 =	vld [tilespmem:s10+$0x30];
	s8 =	sadd.s32 $0x8, s8;
	[tilespmem:s20+$0xFFFFFFE0] =	vst v4  }
0x1db: {  	v4 =	vld [tilespmem:s10+$0xFFFFFFD0];
	p0 =	slt.u32 s8, $0xF8;
	[tilespmem:s20+$0xFFFFFFF0] =	vst v3  }
0x1dc: {  	v3 =	vld [tilespmem:s10+$0xFFFFFFE0];
	[tilespmem:s20+$0x0] =	vst v0  }
0x1dd: {  	v0 =	vld [tilespmem:s10+$0xFFFFFFF0];
	[tilespmem:s20+$0x10] =	vst v1  }
0x1de: {  	v1 =	vld [tilespmem:s10+$0x0];
	[tilespmem:s20+$0x20] =	vst v2  }
0x1df: {  	v2 =	vld [tilespmem:s10+$0x10];
	[tilespmem:s20+$0xFFFFFFC0] =	vst v5  }
0x1e0: {  	v5 =	vld [tilespmem:s10+$0x20]  }
0x1e1: {  	v7 =	vld [tilespmem:s10+$0xFFFFFFC0]  }
0x1e2: {  	v6 =	vld.idx.msk [tilespmem:v6+s5+$0x0], $0xffff  }
0x1e3: {  	v8 =	vld.idx.msk [tilespmem:v4+s5+$0x0], $0xffff  }
0x1e4: {  	v4 =	vld.idx.msk [tilespmem:v3+s5+$0x0], $0xffff  }
.Ltmp10:
0x1e5: {  	v3 =	vld.idx.msk [tilespmem:v0+s5+$0x0], $0xffff;
	(pc) =	sbr.rel @p0 .LBB2_22-.Ltmp10, $4  }
0x1e6: {  	v0 =	vld.idx.msk [tilespmem:v1+s5+$0x0], $0xffff  }
0x1e7: {  	s20 =	sadd.s32 $0x80, s20;
	v1 =	vld.idx.msk [tilespmem:v2+s5+$0x0], $0xffff  }
0x1e8: {  	v2 =	vld.idx.msk [tilespmem:v5+s5+$0x0], $0xffff;
	[tilespmem:s20+$0x30] =	vst v6  }
0x1e9: {  	s10 =	sadd.s32 $0x80, s10;
	v5 =	vld.idx.msk [tilespmem:v7+s5+$0x0], $0xffff;
	[tilespmem:s20+$0xFFFFFFD0] =	vst v8  }
0x1ea: {  	[tilespmem:s20+$0xFFFFFFE0] =	vst v4  }
0x1eb: {  	[tilespmem:s20+$0xFFFFFFF0] =	vst v3  }
0x1ec: {  	[tilespmem:s20+$0x0] =	vst v0  }
0x1ed: {  	[tilespmem:s20+$0x10] =	vst v1  }
0x1ee: {  	[tilespmem:s20+$0x20] =	vst v2  }
0x1ef: {  	p0 =	seq.s32 s17, $0xB;
	[tilespmem:s20+$0xFFFFFFC0] =	vst v5  }
0x1f0: {  	[hbm4b:s7+s21] =	stream.strided.scatter [tilespmem:s30], [sflag:$0x5], $0x1000, s22, s21, $0x38;
	[tilespmem:$0x1E700] =	vst v63  }
0x1f1: {  	s7 =	sadd.s32 @!p0 $0x6, s18  }
0x1f2: {  	s8 =	sshll.u32 @!p0 s7, $0x4  }
0x1f3: {  	s7 =	sshll.u32 @!p0 s7, $0x9;
	s8 =	sand.u32 @!p0 $0x60, s8  }
0x1f4: {  	s10 =	simm.s32 @!p0 $0x400;
	s7 =	sand.u32 @!p0 $0xF000, s7;
	s8 =	sadd.s32 @!p0 s1, s8  }
0x1f5: {  	s20 =	simm.s32 @!p0 $0x1A700;
	s7 =	sadd.s32 @!p0 s7, s8;
	s8 =	simm.s32 @!p0 $0x80  }
0x1f6: {  	[tilespmem:s20], [sflag:$0x3] =	stream.strided.gather @!p0 [hbm4b:s7+s8], $0x1000, s10, s8, $0x38;
	[tilespmem:$0x1E700] =	vst v63  }
0x1f7: {  	_ =	swait.ge [sflag:s14], $0x1000  }
0x1f8: {  	[sflag:s14] =	ssyncset.done $0x0  }
0x1f9: {  	[sflag:s14] =	ssyncadd.s32 $0xFFFFF000  }
0x1fa: {  	_ =	swait.ge [sflag:s26], $0x1000  }
0x1fb: {  	[sflag:s26] =	ssyncset.done $0x0  }
0x1fc: {  	s20 =	simm.s32 $0x1B740;
	[sflag:s26] =	ssyncadd.s32 $0xFFFFF000  }
0x1fd: {  	v0 =	vld [tilespmem:s20+$0x30]  }
0x1fe: {  	v1 =	vld [tilespmem:s20+$0xFFFFFFD0]  }
0x1ff: {  	v2 =	vld [tilespmem:s20+$0xFFFFFFE0]  }
0x200: {  	v3 =	vld [tilespmem:s20+$0xFFFFFFF0]  }
0x201: {  	v5 =	vld [tilespmem:s20+$0x0]  }
0x202: {  	v6 =	vld [tilespmem:s20+$0x10]  }
0x203: {  	v7 =	vld [tilespmem:s20+$0x20]  }
0x204: {  	v8 =	vld [tilespmem:s20+$0xFFFFFFC0]  }
0x205: {  	v9 =	vld.idx.msk [tilespmem:v0+s5+$0x0], $0xffff  }
0x206: {  	v10 =	vld.idx.msk [tilespmem:v1+s5+$0x0], $0xffff  }
0x207: {  	v4 =	vld.idx.msk [tilespmem:v2+s5+$0x0], $0xffff  }
0x208: {  	v3 =	vld.idx.msk [tilespmem:v3+s5+$0x0], $0xffff  }
0x209: {  	v0 =	vld.idx.msk [tilespmem:v5+s5+$0x0], $0xffff  }
0x20a: {  	s20 =	simm.s32 $0x1D740;
	v1 =	vld.idx.msk [tilespmem:v6+s5+$0x0], $0xffff  }
0x20b: {  	v2 =	vld.idx.msk [tilespmem:v7+s5+$0x0], $0xffff;
	[tilespmem:s20+$0x30] =	vst v9  }
0x20c: {  	s7 =	sadd.s32 s19, s13;
	s8 =	simm.s32 $0x0;
	s10 =	simm.s32 $0x1B7C0;
	v5 =	vld.idx.msk [tilespmem:v8+s5+$0x0], $0xffff;
	[tilespmem:s20+$0xFFFFFFD0] =	vst v10  }
.LBB2_24:
0x20d: {  	v6 =	vld [tilespmem:s10+$0x30];
	s8 =	sadd.s32 $0x8, s8;
	[tilespmem:s20+$0xFFFFFFE0] =	vst v4  }
0x20e: {  	v4 =	vld [tilespmem:s10+$0xFFFFFFD0];
	p1 =	slt.u32 s8, $0xF8;
	[tilespmem:s20+$0xFFFFFFF0] =	vst v3  }
0x20f: {  	v3 =	vld [tilespmem:s10+$0xFFFFFFE0];
	[tilespmem:s20+$0x0] =	vst v0  }
0x210: {  	v0 =	vld [tilespmem:s10+$0xFFFFFFF0];
	[tilespmem:s20+$0x10] =	vst v1  }
0x211: {  	v1 =	vld [tilespmem:s10+$0x0];
	[tilespmem:s20+$0x20] =	vst v2  }
0x212: {  	v2 =	vld [tilespmem:s10+$0x10];
	[tilespmem:s20+$0xFFFFFFC0] =	vst v5  }
0x213: {  	v5 =	vld [tilespmem:s10+$0x20]  }
0x214: {  	v7 =	vld [tilespmem:s10+$0xFFFFFFC0]  }
0x215: {  	v6 =	vld.idx.msk [tilespmem:v6+s5+$0x0], $0xffff  }
0x216: {  	v8 =	vld.idx.msk [tilespmem:v4+s5+$0x0], $0xffff  }
0x217: {  	v4 =	vld.idx.msk [tilespmem:v3+s5+$0x0], $0xffff  }
.Ltmp11:
0x218: {  	v3 =	vld.idx.msk [tilespmem:v0+s5+$0x0], $0xffff;
	(pc) =	sbr.rel @p1 .LBB2_24-.Ltmp11, $4  }
0x219: {  	v0 =	vld.idx.msk [tilespmem:v1+s5+$0x0], $0xffff  }
0x21a: {  	s20 =	sadd.s32 $0x80, s20;
	v1 =	vld.idx.msk [tilespmem:v2+s5+$0x0], $0xffff  }
0x21b: {  	v2 =	vld.idx.msk [tilespmem:v5+s5+$0x0], $0xffff;
	[tilespmem:s20+$0x30] =	vst v6  }
0x21c: {  	s10 =	sadd.s32 $0x80, s10;
	v5 =	vld.idx.msk [tilespmem:v7+s5+$0x0], $0xffff;
	[tilespmem:s20+$0xFFFFFFD0] =	vst v8  }
0x21d: {  	[tilespmem:s20+$0xFFFFFFE0] =	vst v4  }
0x21e: {  	[tilespmem:s20+$0xFFFFFFF0] =	vst v3  }
.Ltmp12:
0x21f: {  	[tilespmem:s20+$0x0] =	vst v0;
	(pc) =	sbr.rel @p0 .LBB2_27-.Ltmp12, $4  }
0x220: {  	[tilespmem:s20+$0x10] =	vst v1  }
0x221: {  	[tilespmem:s20+$0x20] =	vst v2  }
0x222: {  	[tilespmem:s20+$0xFFFFFFC0] =	vst v5  }
0x223: {  	[hbm4b:s7+s21] =	stream.strided.scatter [tilespmem:s3], [sflag:$0x6], $0x1000, s22, s21, $0x38;
	[tilespmem:$0x1E700] =	vst v63  }
0x224: {  	s7 =	sadd.s32 $0x7, s18  }
.Ltmp13:
0x225: {  	s8 =	sshll.u32 s7, $0x4;
	(pc) =	sbr.rel .LBB2_17-.Ltmp13, $4  }
0x226: {  	s7 =	sshll.u32 s7, $0x9;
	s8 =	sand.u32 $0x70, s8  }
0x227: {  	s7 =	sand.u32 $0xF000, s7;
	s8 =	sadd.s32 s1, s8  }
0x228: {  	s17 =	sadd.s32 $0x1, s17;
	s7 =	sadd.s32 s7, s8  }
0x229: {  	[tilespmem:s28], [sflag:$0x4] =	stream.strided.gather [hbm4b:s7+s21], $0x1000, s22, s21, $0x38;
	[tilespmem:$0x1E700] =	vst v63  }
.LBB2_27:
0x22a: {  	_ =	swait.ge [sflag:s0], $0x1000  }
0x22b: {  	[sflag:s0] =	ssyncset.done $0x0  }
0x22c: {  	[sflag:s0] =	ssyncadd.s32 $0xFFFFF000  }
0x22d: {  	_ =	swait.ge [sflag:s29], $0x1000  }
0x22e: {  	[sflag:s29] =	ssyncset.done $0x0  }
0x22f: {  	s7 =	simm.s32 $0x18740;
	[sflag:s29] =	ssyncadd.s32 $0xFFFFF000  }
0x230: {  	v0 =	vld [tilespmem:s7+$0x30]  }
0x231: {  	v1 =	vld [tilespmem:s7+$0xFFFFFFD0]  }
0x232: {  	v2 =	vld [tilespmem:s7+$0xFFFFFFE0]  }
0x233: {  	v3 =	vld [tilespmem:s7+$0xFFFFFFF0]  }
0x234: {  	v4 =	vld [tilespmem:s7+$0x0]  }
0x235: {  	v6 =	vld [tilespmem:s7+$0x10]  }
0x236: {  	v7 =	vld [tilespmem:s7+$0x20]  }
0x237: {  	v8 =	vld [tilespmem:s7+$0xFFFFFFC0]  }
0x238: {  	v9 =	vld.idx.msk [tilespmem:v0+s5+$0x0], $0xffff  }
0x239: {  	v10 =	vld.idx.msk [tilespmem:v1+s5+$0x0], $0xffff  }
0x23a: {  	v5 =	vld.idx.msk [tilespmem:v2+s5+$0x0], $0xffff  }
0x23b: {  	v3 =	vld.idx.msk [tilespmem:v3+s5+$0x0], $0xffff  }
0x23c: {  	v0 =	vld.idx.msk [tilespmem:v4+s5+$0x0], $0xffff  }
0x23d: {  	s17 =	simm.s32 $0x1C740;
	v1 =	vld.idx.msk [tilespmem:v6+s5+$0x0], $0xffff  }
0x23e: {  	v2 =	vld.idx.msk [tilespmem:v7+s5+$0x0], $0xffff;
	[tilespmem:s17+$0x30] =	vst v9  }
0x23f: {  	s8 =	simm.s32 $0x187C0;
	s7 =	simm.s32 $0x0;
	v4 =	vld.idx.msk [tilespmem:v8+s5+$0x0], $0xffff;
	[tilespmem:s17+$0xFFFFFFD0] =	vst v10  }
.LBB2_28:
0x240: {  	v6 =	vld [tilespmem:s8+$0x30];
	s7 =	sadd.s32 $0x8, s7;
	[tilespmem:s17+$0xFFFFFFE0] =	vst v5  }
0x241: {  	v5 =	vld [tilespmem:s8+$0xFFFFFFD0];
	p0 =	slt.u32 s7, $0xF8;
	[tilespmem:s17+$0xFFFFFFF0] =	vst v3  }
0x242: {  	v3 =	vld [tilespmem:s8+$0xFFFFFFE0];
	[tilespmem:s17+$0x0] =	vst v0  }
0x243: {  	v0 =	vld [tilespmem:s8+$0xFFFFFFF0];
	[tilespmem:s17+$0x10] =	vst v1  }
0x244: {  	v1 =	vld [tilespmem:s8+$0x0];
	[tilespmem:s17+$0x20] =	vst v2  }
0x245: {  	v2 =	vld [tilespmem:s8+$0x10];
	[tilespmem:s17+$0xFFFFFFC0] =	vst v4  }
0x246: {  	v4 =	vld [tilespmem:s8+$0x20]  }
0x247: {  	v7 =	vld [tilespmem:s8+$0xFFFFFFC0]  }
0x248: {  	v6 =	vld.idx.msk [tilespmem:v6+s5+$0x0], $0xffff  }
0x249: {  	v8 =	vld.idx.msk [tilespmem:v5+s5+$0x0], $0xffff  }
0x24a: {  	v5 =	vld.idx.msk [tilespmem:v3+s5+$0x0], $0xffff  }
.Ltmp14:
0x24b: {  	v3 =	vld.idx.msk [tilespmem:v0+s5+$0x0], $0xffff;
	(pc) =	sbr.rel @p0 .LBB2_28-.Ltmp14, $4  }
0x24c: {  	v0 =	vld.idx.msk [tilespmem:v1+s5+$0x0], $0xffff  }
0x24d: {  	s17 =	sadd.s32 $0x80, s17;
	v1 =	vld.idx.msk [tilespmem:v2+s5+$0x0], $0xffff  }
0x24e: {  	v2 =	vld.idx.msk [tilespmem:v4+s5+$0x0], $0xffff;
	[tilespmem:s17+$0x30] =	vst v6  }
0x24f: {  	s8 =	sadd.s32 $0x80, s8;
	v4 =	vld.idx.msk [tilespmem:v7+s5+$0x0], $0xffff;
	[tilespmem:s17+$0xFFFFFFD0] =	vst v8  }
0x250: {  	[tilespmem:s17+$0xFFFFFFE0] =	vst v5  }
0x251: {  	[tilespmem:s17+$0xFFFFFFF0] =	vst v3  }
0x252: {  	[tilespmem:s17+$0x0] =	vst v0  }
0x253: {  	[tilespmem:s17+$0x10] =	vst v1  }
0x254: {  	[tilespmem:s17+$0x20] =	vst v2  }
0x255: {  	[tilespmem:s17+$0xFFFFFFC0] =	vst v4  }
0x256: {  	s7 =	rddreg [dreg:$0xb]  }
0x257: {  	[hbm4b:s7+s21] =	stream.strided.scatter [tilespmem:s30], [sflag:$0x5], $0x1000, s22, s21, $0x38;
	[tilespmem:$0x1E700] =	vst v63  }
0x258: {  	_ =	swait.ge [sflag:s14], $0x1000  }
0x259: {  	[sflag:s14] =	ssyncset.done $0x0  }
0x25a: {  	[sflag:s14] =	ssyncadd.s32 $0xFFFFF000  }
0x25b: {  	_ =	swait.ge [sflag:s31], $0x1000  }
0x25c: {  	[sflag:s31] =	ssyncset.done $0x0  }
0x25d: {  	s20 =	simm.s32 $0x19740;
	[sflag:s31] =	ssyncadd.s32 $0xFFFFF000  }
0x25e: {  	v0 =	vld [tilespmem:s20+$0x30]  }
0x25f: {  	v1 =	vld [tilespmem:s20+$0xFFFFFFD0]  }
0x260: {  	v2 =	vld [tilespmem:s20+$0xFFFFFFE0]  }
0x261: {  	v3 =	vld [tilespmem:s20+$0xFFFFFFF0]  }
0x262: {  	v4 =	vld [tilespmem:s20+$0x0]  }
0x263: {  	v6 =	vld [tilespmem:s20+$0x10]  }
0x264: {  	v7 =	vld [tilespmem:s20+$0x20]  }
0x265: {  	v8 =	vld [tilespmem:s20+$0xFFFFFFC0]  }
0x266: {  	v9 =	vld.idx.msk [tilespmem:v0+s5+$0x0], $0xffff  }
0x267: {  	v10 =	vld.idx.msk [tilespmem:v1+s5+$0x0], $0xffff  }
0x268: {  	v5 =	vld.idx.msk [tilespmem:v2+s5+$0x0], $0xffff  }
0x269: {  	v3 =	vld.idx.msk [tilespmem:v3+s5+$0x0], $0xffff  }
0x26a: {  	v0 =	vld.idx.msk [tilespmem:v4+s5+$0x0], $0xffff  }
0x26b: {  	s17 =	simm.s32 $0x1D740;
	v1 =	vld.idx.msk [tilespmem:v6+s5+$0x0], $0xffff  }
0x26c: {  	v2 =	vld.idx.msk [tilespmem:v7+s5+$0x0], $0xffff;
	[tilespmem:s17+$0x30] =	vst v9  }
0x26d: {  	s8 =	simm.s32 $0x197C0;
	s7 =	simm.s32 $0x0;
	v4 =	vld.idx.msk [tilespmem:v8+s5+$0x0], $0xffff;
	[tilespmem:s17+$0xFFFFFFD0] =	vst v10  }
.LBB2_30:
0x26e: {  	v6 =	vld [tilespmem:s8+$0x30];
	s7 =	sadd.s32 $0x8, s7;
	[tilespmem:s17+$0xFFFFFFE0] =	vst v5  }
0x26f: {  	v5 =	vld [tilespmem:s8+$0xFFFFFFD0];
	p0 =	slt.u32 s7, $0xF8;
	[tilespmem:s17+$0xFFFFFFF0] =	vst v3  }
0x270: {  	v3 =	vld [tilespmem:s8+$0xFFFFFFE0];
	[tilespmem:s17+$0x0] =	vst v0  }
0x271: {  	v0 =	vld [tilespmem:s8+$0xFFFFFFF0];
	[tilespmem:s17+$0x10] =	vst v1  }
0x272: {  	v1 =	vld [tilespmem:s8+$0x0];
	[tilespmem:s17+$0x20] =	vst v2  }
0x273: {  	v2 =	vld [tilespmem:s8+$0x10];
	[tilespmem:s17+$0xFFFFFFC0] =	vst v4  }
0x274: {  	v4 =	vld [tilespmem:s8+$0x20]  }
0x275: {  	v7 =	vld [tilespmem:s8+$0xFFFFFFC0]  }
0x276: {  	v6 =	vld.idx.msk [tilespmem:v6+s5+$0x0], $0xffff  }
0x277: {  	v8 =	vld.idx.msk [tilespmem:v5+s5+$0x0], $0xffff  }
0x278: {  	v5 =	vld.idx.msk [tilespmem:v3+s5+$0x0], $0xffff  }
.Ltmp15:
0x279: {  	v3 =	vld.idx.msk [tilespmem:v0+s5+$0x0], $0xffff;
	(pc) =	sbr.rel @p0 .LBB2_30-.Ltmp15, $4  }
0x27a: {  	v0 =	vld.idx.msk [tilespmem:v1+s5+$0x0], $0xffff  }
0x27b: {  	s17 =	sadd.s32 $0x80, s17;
	v1 =	vld.idx.msk [tilespmem:v2+s5+$0x0], $0xffff  }
0x27c: {  	v2 =	vld.idx.msk [tilespmem:v4+s5+$0x0], $0xffff;
	[tilespmem:s17+$0x30] =	vst v6  }
0x27d: {  	s8 =	sadd.s32 $0x80, s8;
	v4 =	vld.idx.msk [tilespmem:v7+s5+$0x0], $0xffff;
	[tilespmem:s17+$0xFFFFFFD0] =	vst v8  }
0x27e: {  	[tilespmem:s17+$0xFFFFFFE0] =	vst v5  }
0x27f: {  	[tilespmem:s17+$0xFFFFFFF0] =	vst v3  }
0x280: {  	[tilespmem:s17+$0x0] =	vst v0  }
0x281: {  	[tilespmem:s17+$0x10] =	vst v1  }
0x282: {  	[tilespmem:s17+$0x20] =	vst v2  }
0x283: {  	[tilespmem:s17+$0xFFFFFFC0] =	vst v4  }
0x284: {  	s7 =	rddreg [dreg:$0xc]  }
0x285: {  	[hbm4b:s7+s21] =	stream.strided.scatter [tilespmem:s3], [sflag:$0x6], $0x1000, s22, s21, $0x38;
	[tilespmem:$0x1E700] =	vst v63  }
0x286: {  	_ =	swait.ge [sflag:s0], $0x1000  }
0x287: {  	[sflag:s0] =	ssyncset.done $0x0  }
0x288: {  	[sflag:s0] =	ssyncadd.s32 $0xFFFFF000  }
0x289: {  	_ =	swait.ge [sflag:s14], $0x1000  }
0x28a: {  	s16 =	sadd.s32 $0x1, s16;
	s20 =	rddreg [dreg:$0xd]  }
0x28b: {  	p0 =	sne.s32 s16, s20  }
.Ltmp16:
0x28c: {  	_ = 	snop;
	(pc) =	sbr.rel @p0 .LBB2_1-.Ltmp16, $3  }
0x28d: {  	_ =	sdelay $0x1  }
0x28e: {  	[sflag:s14] =	ssyncset.done $0x0  }
0x28f: {  	[sflag:s14] =	ssyncadd.s32 $0xFFFFF000  }
0x290: {  	_ =	sfence.sel $0x180000  }
0x291: {  	[bflag:$0x0] =	sbarrier.arrive $0xFFFF  }
0x292: {  	_ =	strace $0x90000047  }
0x293: {  	s0 =	stileid.u32;
	[bflag:$0x2] =	sbarrier.arrive $0xFFFF  }
0x294: {  	p0 =	sne.s32 s0, $0x0;
	s0 =	rddreg [dreg:$0x3]  }
0x295: {  	s0 =	sadd.s32 @!p0 $0x100000, s0  }
0x296: {  	[sflag:s0] =	ssyncadd.tile.s32 @!p0 $0x1;
	_ =	shalt  }
.Lfunc_end2:
_tile_overlayer_lowered:
.L_overlay_start_2:
0x297: {  	(tag) =	ssettag $0x2  }
0x298: {  	s0 =	rddreg [dreg:$0x0];
	s2 =	stileid.u32  }
0x299: {  	s1 =	rddreg [dreg:$0x1];
	p0 =	sne.s32 s2, $0x0  }
0x29a: {  	s3 =	rddreg [dreg:$0x2];
	[bflag:$0x3] =	sbarrier.arrive $0xFFFF;
	s2 =	simm.s32 @!p0 $0x1C07  }
0x29b: {  	[timem:s3], [sflag:s2] =	dma.local @!p0 [hbm:s0], s1  }
0x29c: {  	s0 =	simm.s32 @!p0 $0x7  }
0x29d: {  	_ =	swait.ge @!p0 [sflag:s0], s1  }
0x29e: {  	s1 =	ssub.s32 @!p0 $0x0, s1;
	[sflag:s0] =	ssyncset.done @!p0 $0x0  }
0x29f: {  	[sflag:s0] =	ssyncadd.s32 @!p0 s1  }
0x2a0: {  	[bflag:$0x3] =	sbarrier.arrive $0xFFFF  }
0x2a1: {  	_ =	shalt  }

</sc_bundles>
